<compile_context>
chip_gen: v7x
topology: tpu7x:2x2x1
jax: 0.10.2.dev20260603
libtpu: 0.0.44.dev20260713+nightly
codegen_flags: <defaults>
</compile_context>

<pallas_src>
import functools
import math

import jax
import jax.numpy as jnp
from jax import lax
from jax.experimental import pallas as pl
from jax.experimental.pallas import tpu as pltpu
from jax.experimental.pallas import tpu_sc as plsc

_B, _N, _D = 8, 512, 128
_IOU_THRESHOLD = 0.8
_INV_TEMP = 10.0
_LOG2E = math.log2(math.e)
_SIDE_SCALE = math.sqrt(_INV_TEMP * _LOG2E)

_NC, _NS, _LANES = 2, 16, 16
_NW = _NC * _NS
_SEG = 128
_BT = _B * _N
_BPW = _BT // _NW


def _phase1_kernel(feat_a_ref, feat_b_ref, iou_ref,
                   an_ref, bn_ref, m_ref, ridx_ref, lane_ref, rowmax_ref):
    b = pl.program_id(0)

    @pl.when(b == 0)
    def _():
        fa = feat_a_ref[...].reshape(_B * _N, _D)
        fb = feat_b_ref[...].reshape(_B * _N, _D)
        na = jnp.sqrt(jnp.sum(fa * fa, axis=-1, keepdims=True)) + 1e-8
        nb = jnp.sqrt(jnp.sum(fb * fb, axis=-1, keepdims=True)) + 1e-8
        an_ref[...] = (fa * (_SIDE_SCALE / na)).astype(jnp.float8_e4m3fn)
        bn_ref[...] = (fb * (_SIDE_SCALE / nb)).astype(jnp.float8_e4m3fn)

    iou_b = iou_ref[0]
    rowmax = jnp.max(iou_b, axis=-1, keepdims=True)
    col = lax.broadcasted_iota(jnp.int32, (_N, _N), 1)
    eq = iou_b == rowmax
    idx = jnp.min(jnp.where(eq, col, _N), axis=-1, keepdims=True)
    onehot = (col == idx).astype(jnp.bfloat16)

    an_b = an_ref[pl.ds(b * _N, _N), :]
    match = jnp.dot(onehot, an_b.astype(jnp.bfloat16),
                    preferred_element_type=jnp.float32)
    m_ref[...] = match.astype(jnp.float8_e4m3fn)

    riota = lax.broadcasted_iota(jnp.int32, (_N, 1), 0)
    ridx_ref[...] = (b * (_N * _N // _SEG) + riota * (_N // _SEG)
                     + lax.shift_right_logical(idx, 7))[None]
    lane_ref[...] = jnp.bitwise_and(idx, _SEG - 1)[None]
    rowmax_ref[...] = rowmax[None]


def _loop_kernel(m_ref, an_ref, bn_ref, negsum_ref):
    b = pl.program_id(0)
    m8 = m_ref[...]
    acc = jnp.zeros((_N, _D), jnp.float32)
    for j in range(_B - 1):
        jj = j + (j >= b).astype(jnp.int32)
        a_j = an_ref[pl.ds(jj * _N, _N), :]
        b_j = bn_ref[pl.ds(jj * _N, _N), :]
        ga = lax.dot_general(m8, a_j, (((1,), (1,)), ((), ())),
                             preferred_element_type=jnp.float32)
        gb = lax.dot_general(m8, b_j, (((1,), (1,)), ((), ())),
                             preferred_element_type=jnp.float32)
        ea = jnp.exp2(ga.astype(jnp.bfloat16))
        eb = jnp.exp2(gb.astype(jnp.bfloat16))
        sa = ((ea[:, 0:128] + ea[:, 128:256])
              + (ea[:, 256:384] + ea[:, 384:512]))
        sb = ((eb[:, 0:128] + eb[:, 128:256])
              + (eb[:, 256:384] + eb[:, 384:512]))
        acc = acc + (sa.astype(jnp.float32) + sb.astype(jnp.float32))
    negsum_ref[...] = jnp.sum(acc, axis=-1, keepdims=True)[None]


def _combine_kernel(negsum_ref, segs_ref, lane_ref, rowmax_ref,
                    loss_ref, cnt_ref):
    segs = segs_ref[...]
    lane = lane_ref[...].reshape(_B * _N, 1)
    laneiota = lax.broadcasted_iota(jnp.int32, (_BT, _SEG), 1)
    pos = jnp.sum(jnp.where(laneiota == lane, segs, 0.0),
                  axis=-1, keepdims=True)
    negsum = negsum_ref[...].reshape(_BT, 1)
    total = negsum + jnp.exp2(pos * (_INV_TEMP * _LOG2E))
    row_loss = jnp.log(total) - pos * _INV_TEMP
    rm = (rowmax_ref[...].reshape(_BT, 1) >= _IOU_THRESHOLD
          ).astype(jnp.float32)
    rl = (row_loss * rm).reshape(_B, _N)
    cnt = jnp.sum(rm.reshape(_B, _N), axis=-1, keepdims=True)
    loss_ref[...] = (jnp.sum(rl, axis=-1, keepdims=True) / cnt)[:, :, None]
    cnt_ref[...] = cnt.astype(jnp.int32)[:, :, None]


def _sc_gather(sim_rows, ridx):
    mesh = plsc.VectorSubcoreMesh(core_axis_name="c", subcore_axis_name="s")

    @functools.partial(
        pl.kernel, mesh=mesh,
        out_type=jax.ShapeDtypeStruct((_BT, _SEG), jnp.float32),
        scratch_types=[
            pltpu.VMEM((_BPW,), jnp.int32),
            pltpu.VMEM((_BPW, _SEG), jnp.float32),
            pltpu.SemaphoreType.DMA,
        ],
    )
    def k(table_hbm, idx_hbm, out_hbm, idx_v, rows_v, sem):
        wid = lax.axis_index("s") * _NC + lax.axis_index("c")
        base = wid * _BPW
        pltpu.sync_copy(idx_hbm.at[pl.ds(base, _BPW)], idx_v)
        pltpu.async_copy(table_hbm.at[idx_v], rows_v, sem).wait()
        pltpu.sync_copy(rows_v, out_hbm.at[pl.ds(base, _BPW)])

    return k(sim_rows, ridx)


def kernel(feat_a, feat_b, sim, iou):
    an, bn, mtab, ridx, lane, rowmax = pl.pallas_call(
        _phase1_kernel,
        grid=(_B,),
        in_specs=[
            pl.BlockSpec((_B, _N, _D), lambda b: (0, 0, 0)),
            pl.BlockSpec((_B, _N, _D), lambda b: (0, 0, 0)),
            pl.BlockSpec((1, _N, _N), lambda b: (b, 0, 0)),
        ],
        out_specs=[
            pl.BlockSpec((_B * _N, _D), lambda b: (0, 0)),
            pl.BlockSpec((_B * _N, _D), lambda b: (0, 0)),
            pl.BlockSpec((_N, _D), lambda b: (b, 0)),
            pl.BlockSpec((1, _N, 1), lambda b: (b, 0, 0)),
            pl.BlockSpec((1, _N, 1), lambda b: (b, 0, 0)),
            pl.BlockSpec((1, _N, 1), lambda b: (b, 0, 0)),
        ],
        out_shape=[
            jax.ShapeDtypeStruct((_B * _N, _D), jnp.float8_e4m3fn),
            jax.ShapeDtypeStruct((_B * _N, _D), jnp.float8_e4m3fn),
            jax.ShapeDtypeStruct((_B * _N, _D), jnp.float8_e4m3fn),
            jax.ShapeDtypeStruct((_B, _N, 1), jnp.int32),
            jax.ShapeDtypeStruct((_B, _N, 1), jnp.int32),
            jax.ShapeDtypeStruct((_B, _N, 1), jnp.float32),
        ],
    )(feat_a, feat_b, iou)

    segs = _sc_gather(sim.reshape(_B * _N * _N // _SEG, _SEG),
                      ridx.reshape(_BT))

    negsum = pl.pallas_call(
        _loop_kernel,
        grid=(_B,),
        in_specs=[
            pl.BlockSpec((_N, _D), lambda b: (b, 0)),
            pl.BlockSpec((_B * _N, _D), lambda b: (0, 0)),
            pl.BlockSpec((_B * _N, _D), lambda b: (0, 0)),
        ],
        out_specs=pl.BlockSpec((1, _N, 1), lambda b: (b, 0, 0)),
        out_shape=jax.ShapeDtypeStruct((_B, _N, 1), jnp.float32),
    )(mtab, an, bn)

    loss, cnt = pl.pallas_call(
        _combine_kernel,
        in_specs=[
            pl.BlockSpec((_B, _N, 1), lambda: (0, 0, 0)),
            pl.BlockSpec((_BT, _SEG), lambda: (0, 0)),
            pl.BlockSpec((_B, _N, 1), lambda: (0, 0, 0)),
            pl.BlockSpec((_B, _N, 1), lambda: (0, 0, 0)),
        ],
        out_specs=[
            pl.BlockSpec((_B, 1, 1), lambda: (0, 0, 0)),
            pl.BlockSpec((_B, 1, 1), lambda: (0, 0, 0)),
        ],
        out_shape=[
            jax.ShapeDtypeStruct((_B, 1, 1), jnp.float32),
            jax.ShapeDtypeStruct((_B, 1, 1), jnp.int32),
        ],
    )(negsum, segs, lane, rowmax)
    return (loss[:, 0, 0], cnt[:, 0, 0])

# --- scband reference (transcript-rebuilt; emitter-appended) ---
"""Pipeline reference for scband-contrastive-loss-for-ro-i-50233937494400 (READ-ONLY COPY).

The authoritative reference and input builder live on the scoring server;
editing this copy changes nothing except your own understanding.
"""

import jax, jax.numpy as jnp
import numpy as np

IOU_THRESHOLD = 0.8
TEMP = 0.1


def setup_inputs(seed: int = 0) -> dict:
    key = jax.random.key(seed)
    k1, k2, k3, k4 = jax.random.split(key, 4)
    B, N, D = 8, 512, 128
    feat_a = jax.random.normal(k1, (B, N, D), dtype=jnp.float32)
    feat_b = jax.random.normal(k2, (B, N, D), dtype=jnp.float32)
    sim = jax.random.uniform(k3, (B, N, N), dtype=jnp.float32)
    iou = jax.random.uniform(k4, (B, N, N), dtype=jnp.float32)
    return {"feat_a": feat_a, "feat_b": feat_b, "sim": sim, "iou": iou}


def _cosine_similarity_all_pair(a, b):
    # a: (P, D), b: (Q, D) -> (P, Q)
    an = a / (jnp.linalg.norm(a, axis=-1, keepdims=True) + 1e-8)
    bn = b / (jnp.linalg.norm(b, axis=-1, keepdims=True) + 1e-8)
    return an @ bn.T


def _cross_entropy_label0(logits):
    # F.cross_entropy with all labels == 0, mean reduction
    logz = jax.nn.logsumexp(logits, axis=1)
    return jnp.mean(logz - logits[:, 0])


def reference(feat_a, feat_b, sim, iou):
    B, N, D = feat_a.shape
    # scatter 1.0 at per-row argmax of iou (last dim)
    argm = jnp.argmax(iou, axis=-1)                      # (B, N)
    iou_max_mask = jax.nn.one_hot(argm, N, dtype=iou.dtype)
    iou_max_only = iou * iou_max_mask
    iou_match = jnp.where(iou_max_only >= IOU_THRESHOLD, iou_max_only, jnp.zeros_like(iou_max_only))

    losses = []
    matched = []
    rows = jnp.arange(N)
    for b_idx in range(B):
        cols = argm[b_idx]                               # (N,) per-row argmax column
        row_match = iou_match[b_idx, rows, cols] > 0     # (N,) at most one nonzero per row
        pos_sim = sim[b_idx, rows, cols]                 # (N,)
        match_feat = feat_a[b_idx, cols]                 # (N, D)
        neg_indices = jnp.concatenate([jnp.arange(0, b_idx), jnp.arange(b_idx + 1, B)])
        neg_feat_a = feat_a[neg_indices].reshape(-1, D)
        neg_feat_b = feat_b[neg_indices].reshape(-1, D)
        neg_feat = jnp.concatenate([neg_feat_a, neg_feat_b], axis=0)   # (2*(B-1)*N, D)
        neg_sim = _cosine_similarity_all_pair(match_feat, neg_feat)    # (N, 2*(B-1)*N)
        logits = jnp.concatenate([(pos_sim / TEMP)[:, None], neg_sim / TEMP], axis=1)
        logz = jax.nn.logsumexp(logits, axis=1)
        row_loss = logz - logits[:, 0]
        cnt = jnp.sum(row_match)
        losses.append(jnp.sum(jnp.where(row_match, row_loss, jnp.zeros_like(row_loss))) / cnt)
        matched.append(cnt.astype(jnp.int32))
    loss = jnp.stack(losses)
    matched_box_num = jnp.stack(matched)
    return (loss, matched_box_num)

if __name__ == "__main__":
    import jax
    _d = setup_inputs()
    print(jax.jit(kernel)(*tuple(_d.values())))

</pallas_src>

<mosaic_0001>
#map = affine_map<(d0, d1) -> (0, 0)>
#map1 = affine_map<(d0, d1) -> (0)>
module attributes {stable_mosaic.version = 14 : i64} {
  func.func @k(%arg0: i32, %arg1: i32, %arg2: memref<16384x128xf32, #tpu.memory_space<hbm>>, %arg3: memref<4096xi32, #tpu.memory_space<hbm>>, %arg4: memref<4096x128xf32, #tpu.memory_space<hbm>>, %arg5: memref<128xi32, #tpu.memory_space<vmem>>, %arg6: memref<128x128xf32, #tpu.memory_space<vmem>>, %arg7: memref<!tpu.dma_semaphore, #tpu.memory_space<semaphore_mem>>) attributes {dimension_semantics = [#tpu.dimension_semantics<core_parallel>, #tpu.dimension_semantics<subcore_parallel>], iteration_bounds = array<i64: 2, 16>, scalar_prefetch = 0 : i64, scratch_operands = 3 : i64, tpu.core_type = #tpu.core_type<sc_vector_subcore>, window_params = [{transform_indices = #map}, {transform_indices = #map1}, {transform_indices = #map}]} {
    %mul3A = arith.constant 2 : i32
    %mul3A_0 = arith.muli %arg1, %mul3A : i32
    %add3A = arith.addi %mul3A_0, %arg0 : i32
    %mul3A_1 = arith.constant 128 : i32
    %mul3A_2 = arith.muli %add3A, %mul3A_1 : i32
    "tpu.region"() ({
      %run_scoped3A = tpu.sem_alloc : memref<!tpu.dma_semaphore, #tpu.memory_space<semaphore_mem>>
      %dma_start3A_7 = tpu.memref_slice %arg3[%mul3A_2] : memref<4096xi32, #tpu.memory_space<hbm>> -> memref<128xi32, #tpu.memory_space<hbm>>
      %dma_start3A_8 = tpu.memref_slice %arg3[%mul3A_2] : memref<4096xi32, #tpu.memory_space<hbm>> -> memref<128xi32, #tpu.memory_space<hbm>>
      tpu.enqueue_dma source(%dma_start3A_8 : memref<128xi32, #tpu.memory_space<hbm>>) target(%arg5 : memref<128xi32, #tpu.memory_space<vmem>>) target_semaphore(%run_scoped3A : memref<!tpu.dma_semaphore, #tpu.memory_space<semaphore_mem>>)
      %dma_wait3A_9 = tpu.memref_slice %arg3[%mul3A_2] : memref<4096xi32, #tpu.memory_space<hbm>> -> memref<128xi32, #tpu.memory_space<hbm>>
      %dma_wait3A_10 = tpu.memref_slice %arg3[%mul3A_2] : memref<4096xi32, #tpu.memory_space<hbm>> -> memref<128xi32, #tpu.memory_space<hbm>>
      tpu.wait_dma2 semaphore(%run_scoped3A : memref<!tpu.dma_semaphore, #tpu.memory_space<semaphore_mem>>) src(%dma_wait3A_10 : memref<128xi32, #tpu.memory_space<hbm>>) dst(%arg5 : memref<128xi32, #tpu.memory_space<vmem>>)
      tpu.yield
    }) : () -> ()
    %dma_start3A = arith.constant 0 : i32
    %dma_start3A_3 = arith.constant 0 : i32
    %dma_start3A_4 = tpu.memref_slice %arg2[%dma_start3A, %dma_start3A_3] : memref<16384x128xf32, #tpu.memory_space<hbm>> -> memref<16384x128xf32, #tpu.memory_space<hbm>>
    tpu.enqueue_indirect_dma source(%dma_start3A_4 : memref<16384x128xf32, #tpu.memory_space<hbm>>) target(%arg6 : memref<128x128xf32, #tpu.memory_space<vmem>>) offsets(%arg5 : memref<128xi32, #tpu.memory_space<vmem>>) semaphore(%arg7 : memref<!tpu.dma_semaphore, #tpu.memory_space<semaphore_mem>>)
    %dma_wait3A = arith.constant 0 : i32
    %dma_wait3A_5 = arith.constant 0 : i32
    %dma_wait3A_6 = tpu.memref_slice %arg2[%dma_wait3A, %dma_wait3A_5] : memref<16384x128xf32, #tpu.memory_space<hbm>> -> memref<16384x128xf32, #tpu.memory_space<hbm>>
    tpu.wait_indirect_dma semaphore(%arg7 : memref<!tpu.dma_semaphore, #tpu.memory_space<semaphore_mem>>) src(%dma_wait3A_6 : memref<16384x128xf32, #tpu.memory_space<hbm>>) dst(%arg6 : memref<128x128xf32, #tpu.memory_space<vmem>>)
    "tpu.region"() ({
      %run_scoped3A = tpu.sem_alloc : memref<!tpu.dma_semaphore, #tpu.memory_space<semaphore_mem>>
      %dma_start3A_7 = arith.constant 0 : i32
      %dma_start3A_8 = tpu.memref_slice %arg4[%mul3A_2, %dma_start3A_7] : memref<4096x128xf32, #tpu.memory_space<hbm>> -> memref<128x128xf32, #tpu.memory_space<hbm>>
      %dma_start3A_9 = arith.constant 0 : i32
      %dma_start3A_10 = tpu.memref_slice %arg4[%mul3A_2, %dma_start3A_9] : memref<4096x128xf32, #tpu.memory_space<hbm>> -> memref<128x128xf32, #tpu.memory_space<hbm>>
      tpu.enqueue_dma source(%arg6 : memref<128x128xf32, #tpu.memory_space<vmem>>) target(%dma_start3A_10 : memref<128x128xf32, #tpu.memory_space<hbm>>) target_semaphore(%run_scoped3A : memref<!tpu.dma_semaphore, #tpu.memory_space<semaphore_mem>>)
      %dma_wait3A_11 = arith.constant 0 : i32
      %dma_wait3A_12 = tpu.memref_slice %arg4[%mul3A_2, %dma_wait3A_11] : memref<4096x128xf32, #tpu.memory_space<hbm>> -> memref<128x128xf32, #tpu.memory_space<hbm>>
      %dma_wait3A_13 = arith.constant 0 : i32
      %dma_wait3A_14 = tpu.memref_slice %arg4[%mul3A_2, %dma_wait3A_13] : memref<4096x128xf32, #tpu.memory_space<hbm>> -> memref<128x128xf32, #tpu.memory_space<hbm>>
      tpu.wait_dma2 semaphore(%run_scoped3A : memref<!tpu.dma_semaphore, #tpu.memory_space<semaphore_mem>>) src(%arg6 : memref<128x128xf32, #tpu.memory_space<vmem>>) dst(%dma_wait3A_14 : memref<128x128xf32, #tpu.memory_space<hbm>>)
      tpu.yield
    }) : () -> ()
    return
  }
}

module attributes {stable_mosaic.version = 14 : i64} {
  func.func @_phase1_kernel(%arg0: i32, %arg1: memref<8x512x128xf32, #tpu.memory_space<vmem>>, %arg2: memref<8x512x128xf32, #tpu.memory_space<vmem>>, %arg3: memref<1x512x512xf32, #tpu.memory_space<vmem>>, %arg4: memref<4096x128xf8E4M3FN, #tpu.memory_space<vmem>>, %arg5: memref<4096x128xf8E4M3FN, #tpu.memory_space<vmem>>, %arg6: memref<512x128xf8E4M3FN, #tpu.memory_space<vmem>>, %arg7: memref<1x512x1xi32, #tpu.memory_space<vmem>>, %arg8: memref<1x512x1xi32, #tpu.memory_space<vmem>>, %arg9: memref<1x512x1xf32, #tpu.memory_space<vmem>>) attributes {dimension_semantics = [#tpu.dimension_semantics<arbitrary>], iteration_bounds = array<i64: 8>, scalar_prefetch = 0 : i64, scratch_operands = 0 : i64, tpu.core_type = #tpu.core_type<tc>, window_params = [{pipeline_mode = #tpu.pipeline_mode<synchronous>, transform_indices = @transform_0, window_bounds = array<i64: 8, 512, 128>}, {pipeline_mode = #tpu.pipeline_mode<synchronous>, transform_indices = @transform_1, window_bounds = array<i64: 8, 512, 128>}, {transform_indices = @transform_2, window_bounds = array<i64: 1, 512, 512>}, {pipeline_mode = #tpu.pipeline_mode<synchronous>, transform_indices = @transform_3, window_bounds = array<i64: 4096, 128>}, {pipeline_mode = #tpu.pipeline_mode<synchronous>, transform_indices = @transform_4, window_bounds = array<i64: 4096, 128>}, {transform_indices = @transform_5, window_bounds = array<i64: 512, 128>}, {transform_indices = @transform_6, window_bounds = array<i64: 1, 512, 1>}, {transform_indices = @transform_7, window_bounds = array<i64: 1, 512, 1>}, {transform_indices = @transform_8, window_bounds = array<i64: 1, 512, 1>}]} {
    %eq3A = arith.constant 0 : i32
    %eq3A_0 = arith.cmpi eq, %arg0, %eq3A : i32
    %convert_element_type3A = arith.extui %eq3A_0 : i1 to i32
    %cond3A = arith.constant 0 : i32
    %cond3A_1 = arith.cmpi ne, %convert_element_type3A, %cond3A : i32
    scf.if %cond3A_1 {
      %get3A_53 = arith.constant 0 : index
      %get3A_54 = arith.constant 0 : index
      %get3A_55 = arith.constant 0 : index
      %get3A_56 = vector.load %arg1[%get3A_53, %get3A_54, %get3A_55] : memref<8x512x128xf32, #tpu.memory_space<vmem>>, vector<8x512x128xf32>
      %reshape3A = vector.shape_cast %get3A_56 : vector<8x512x128xf32> to vector<4096x128xf32>
      %get3A_57 = arith.constant 0 : index
      %get3A_58 = arith.constant 0 : index
      %get3A_59 = arith.constant 0 : index
      %get3A_60 = vector.load %arg2[%get3A_57, %get3A_58, %get3A_59] : memref<8x512x128xf32, #tpu.memory_space<vmem>>, vector<8x512x128xf32>
      %reshape3A_61 = vector.shape_cast %get3A_60 : vector<8x512x128xf32> to vector<4096x128xf32>
      %mul3A_62 = arith.mulf %reshape3A, %reshape3A : vector<4096x128xf32>
      %reduce_sum3A = arith.constant dense<0.000000e+00> : vector<4096xf32>
      %reduce_sum3A_63 = vector.multi_reduction <add>, %mul3A_62, %reduce_sum3A [1] : vector<4096x128xf32> to vector<4096xf32>
      %broadcast_in_dim3A_64 = vector.shape_cast %reduce_sum3A_63 : vector<4096xf32> to vector<4096x1xf32>
      %sqrt3A = math.sqrt %broadcast_in_dim3A_64 : vector<4096x1xf32>
      %add3A_65 = arith.constant 9.99999993E-9 : f32
      %add3A_66 = vector.broadcast %add3A_65 : f32 to vector<4096x1xf32>
      %add3A_67 = arith.addf %sqrt3A, %add3A_66 : vector<4096x1xf32>
      %mul3A_68 = arith.mulf %reshape3A_61, %reshape3A_61 : vector<4096x128xf32>
      %reduce_sum3A_69 = arith.constant dense<0.000000e+00> : vector<4096xf32>
      %reduce_sum3A_70 = vector.multi_reduction <add>, %mul3A_68, %reduce_sum3A_69 [1] : vector<4096x128xf32> to vector<4096xf32>
      %broadcast_in_dim3A_71 = vector.shape_cast %reduce_sum3A_70 : vector<4096xf32> to vector<4096x1xf32>
      %sqrt3A_72 = math.sqrt %broadcast_in_dim3A_71 : vector<4096x1xf32>
      %add3A_73 = arith.constant 9.99999993E-9 : f32
      %add3A_74 = vector.broadcast %add3A_73 : f32 to vector<4096x1xf32>
      %add3A_75 = arith.addf %sqrt3A_72, %add3A_74 : vector<4096x1xf32>
      %div3A = arith.constant 3.79828262 : f32
      %div3A_76 = vector.broadcast %div3A : f32 to vector<4096x1xf32>
      %div3A_77 = arith.divf %div3A_76, %add3A_67 : vector<4096x1xf32>
      %mul3A_78 = vector.broadcast %div3A_77 : vector<4096x1xf32> to vector<4096x128xf32>
      %mul3A_79 = arith.mulf %reshape3A, %mul3A_78 : vector<4096x128xf32>
      %convert_element_type3A_80 = arith.truncf %mul3A_79 : vector<4096x128xf32> to vector<4096x128xf8E4M3FN>
      %swap3A_81 = arith.constant 0 : index
      %swap3A_82 = arith.constant 0 : index
      %swap3A_83 = vector.load %arg4[%swap3A_81, %swap3A_82] : memref<4096x128xf8E4M3FN, #tpu.memory_space<vmem>>, vector<4096x128xf8E4M3FN>
      tpu.vector_store %arg4[%swap3A_81, %swap3A_82], %convert_element_type3A_80 {strides = array<i32>} : memref<4096x128xf8E4M3FN, #tpu.memory_space<vmem>>, vector<4096x128xf8E4M3FN>,
      %div3A_84 = arith.constant 3.79828262 : f32
      %div3A_85 = vector.broadcast %div3A_84 : f32 to vector<4096x1xf32>
      %div3A_86 = arith.divf %div3A_85, %add3A_75 : vector<4096x1xf32>
      %mul3A_87 = vector.broadcast %div3A_86 : vector<4096x1xf32> to vector<4096x128xf32>
      %mul3A_88 = arith.mulf %reshape3A_61, %mul3A_87 : vector<4096x128xf32>
      %convert_element_type3A_89 = arith.truncf %mul3A_88 : vector<4096x128xf32> to vector<4096x128xf8E4M3FN>
      %swap3A_90 = arith.constant 0 : index
      %swap3A_91 = arith.constant 0 : index
      %swap3A_92 = vector.load %arg5[%swap3A_90, %swap3A_91] : memref<4096x128xf8E4M3FN, #tpu.memory_space<vmem>>, vector<4096x128xf8E4M3FN>
      tpu.vector_store %arg5[%swap3A_90, %swap3A_91], %convert_element_type3A_89 {strides = array<i32>} : memref<4096x128xf8E4M3FN, #tpu.memory_space<vmem>>, vector<4096x128xf8E4M3FN>,
    } else {
    }
    %get3A = arith.constant 0 : index
    %get3A_2 = arith.constant 0 : index
    %get3A_3 = arith.constant 0 : index
    %get3A_4 = vector.load %arg3[%get3A, %get3A_2, %get3A_3] : memref<1x512x512xf32, #tpu.memory_space<vmem>>, vector<1x512x512xf32>
    %get3A_5 = vector.shape_cast %get3A_4 : vector<1x512x512xf32> to vector<512x512xf32>
    %reduce_max3A = arith.constant dense<0xFF800000> : vector<512xf32>
    %reduce_max3A_6 = vector.multi_reduction <maximumf>, %get3A_5, %reduce_max3A [1] : vector<512x512xf32> to vector<512xf32>
    %broadcast_in_dim3A = vector.shape_cast %reduce_max3A_6 : vector<512xf32> to vector<512x1xf32>
    %iota3A = tpu.iota {dimensions = array<i32: 1>} : vector<512x512xi32>
    %eq3A_7 = vector.broadcast %broadcast_in_dim3A : vector<512x1xf32> to vector<512x512xf32>
    %eq3A_8 = arith.cmpf oeq, %get3A_5, %eq3A_7 : vector<512x512xf32>
    %jit3A = arith.constant 512 : i32
    %broadcast_in_dim3A_9 = vector.broadcast %jit3A : i32 to vector<512x512xi32>
    %select_n3A = arith.select %eq3A_8, %iota3A, %broadcast_in_dim3A_9 : vector<512x512xi1>, vector<512x512xi32>
    %reduce_min3A = arith.constant dense<2147483647> : vector<512xi32>
    %reduce_min3A_10 = vector.multi_reduction <minsi>, %select_n3A, %reduce_min3A [1] : vector<512x512xi32> to vector<512xi32>
    %broadcast_in_dim3A_11 = vector.shape_cast %reduce_min3A_10 : vector<512xi32> to vector<512x1xi32>
    %eq3A_12 = vector.broadcast %broadcast_in_dim3A_11 : vector<512x1xi32> to vector<512x512xi32>
    %eq3A_13 = arith.cmpi eq, %iota3A, %eq3A_12 : vector<512x512xi32>
    %convert_element_type3A_14 = arith.extui %eq3A_13 : vector<512x512xi1> to vector<512x512xi32>
    %convert_element_type3A_15 = arith.sitofp %convert_element_type3A_14 : vector<512x512xi32> to vector<512x512xf32>
    %convert_element_type3A_16 = arith.truncf %convert_element_type3A_15 : vector<512x512xf32> to vector<512x512xbf16>
    %mul3A = arith.constant 512 : i32
    %mul3A_17 = arith.muli %arg0, %mul3A : i32
    %get3A_18 = arith.index_cast %mul3A_17 : i32 to index
    %get3A_19 = arith.constant 0 : index
    %get3A_20 = vector.load %arg4[%get3A_18, %get3A_19] : memref<4096x128xf8E4M3FN, #tpu.memory_space<vmem>>, vector<512x128xf8E4M3FN>
    %convert_element_type3A_21 = arith.extf %get3A_20 : vector<512x128xf8E4M3FN> to vector<512x128xbf16>
    %dot_general3A = arith.constant dense<0.000000e+00> : vector<512x128xf32>
    %dot_general3A_22 = tpu.matmul %convert_element_type3A_16, %convert_element_type3A_21, %dot_general3A {dimension_numbers = #tpu.dot_dimension_numbers<[1], [0], [0], [1], [0, 0, 1, 1], [], []>, transpose_lhs_hint = false} : vector<512x512xbf16>, vector<512x128xbf16>, vector<512x128xf32> -> vector<512x128xf32>
    %convert_element_type3A_23 = arith.truncf %dot_general3A_22 : vector<512x128xf32> to vector<512x128xf8E4M3FN>
    %swap3A = arith.constant 0 : index
    %swap3A_24 = arith.constant 0 : index
    %swap3A_25 = vector.load %arg6[%swap3A, %swap3A_24] : memref<512x128xf8E4M3FN, #tpu.memory_space<vmem>>, vector<512x128xf8E4M3FN>
    tpu.vector_store %arg6[%swap3A, %swap3A_24], %convert_element_type3A_23 {strides = array<i32>} : memref<512x128xf8E4M3FN, #tpu.memory_space<vmem>>, vector<512x128xf8E4M3FN>,
    %iota3A_26 = tpu.iota {dimensions = array<i32: 0>} : vector<512x1xi32>
    %mul3A_27 = arith.constant 2048 : i32
    %mul3A_28 = arith.muli %arg0, %mul3A_27 : i32
    %mul3A_29 = arith.constant 4 : i32
    %mul3A_30 = vector.broadcast %mul3A_29 : i32 to vector<512x1xi32>
    %mul3A_31 = arith.muli %iota3A_26, %mul3A_30 : vector<512x1xi32>
    %add3A = vector.broadcast %mul3A_28 : i32 to vector<512x1xi32>
    %add3A_32 = arith.addi %add3A, %mul3A_31 : vector<512x1xi32>
    %shift_right_logical3A = arith.constant 7 : i32
    %shift_right_logical3A_33 = vector.broadcast %shift_right_logical3A : i32 to vector<512x1xi32>
    %shift_right_logical3A_34 = arith.shrui %broadcast_in_dim3A_11, %shift_right_logical3A_33 : vector<512x1xi32>
    %add3A_35 = arith.addi %add3A_32, %shift_right_logical3A_34 : vector<512x1xi32>
    %broadcast_in_dim3A_36 = vector.shape_cast %add3A_35 : vector<512x1xi32> to vector<1x512x1xi32>
    %swap3A_37 = arith.constant 0 : index
    %swap3A_38 = arith.constant 0 : index
    %swap3A_39 = arith.constant 0 : index
    %swap3A_40 = vector.load %arg7[%swap3A_37, %swap3A_38, %swap3A_39] : memref<1x512x1xi32, #tpu.memory_space<vmem>>, vector<1x512x1xi32>
    tpu.vector_store %arg7[%swap3A_37, %swap3A_38, %swap3A_39], %broadcast_in_dim3A_36 {strides = array<i32>} : memref<1x512x1xi32, #tpu.memory_space<vmem>>, vector<1x512x1xi32>,
    %and3A = arith.constant 127 : i32
    %and3A_41 = vector.broadcast %and3A : i32 to vector<512x1xi32>
    %and3A_42 = arith.andi %broadcast_in_dim3A_11, %and3A_41 : vector<512x1xi32>
    %broadcast_in_dim3A_43 = vector.shape_cast %and3A_42 : vector<512x1xi32> to vector<1x512x1xi32>
    %swap3A_44 = arith.constant 0 : index
    %swap3A_45 = arith.constant 0 : index
    %swap3A_46 = arith.constant 0 : index
    %swap3A_47 = vector.load %arg8[%swap3A_44, %swap3A_45, %swap3A_46] : memref<1x512x1xi32, #tpu.memory_space<vmem>>, vector<1x512x1xi32>
    tpu.vector_store %arg8[%swap3A_44, %swap3A_45, %swap3A_46], %broadcast_in_dim3A_43 {strides = array<i32>} : memref<1x512x1xi32, #tpu.memory_space<vmem>>, vector<1x512x1xi32>,
    %broadcast_in_dim3A_48 = vector.shape_cast %broadcast_in_dim3A : vector<512x1xf32> to vector<1x512x1xf32>
    %swap3A_49 = arith.constant 0 : index
    %swap3A_50 = arith.constant 0 : index
    %swap3A_51 = arith.constant 0 : index
    %swap3A_52 = vector.load %arg9[%swap3A_49, %swap3A_50, %swap3A_51] : memref<1x512x1xf32, #tpu.memory_space<vmem>>, vector<1x512x1xf32>
    tpu.vector_store %arg9[%swap3A_49, %swap3A_50, %swap3A_51], %broadcast_in_dim3A_48 {strides = array<i32>} : memref<1x512x1xf32, #tpu.memory_space<vmem>>, vector<1x512x1xf32>,
    return
  }
  func.func @transform_0(%arg0: i32) -> (i32, i32, i32) {
    %c0_i32 = arith.constant 0 : i32
    %c0_i32_0 = arith.constant 0 : i32
    %c0_i32_1 = arith.constant 0 : i32
    %c0_i32_2 = arith.constant 0 : i32
    return %c0_i32, %c0_i32_0, %c0_i32_1 : i32, i32, i32
  }
  func.func @transform_1(%arg0: i32) -> (i32, i32, i32) {
    %c0_i32 = arith.constant 0 : i32
    %c0_i32_0 = arith.constant 0 : i32
    %c0_i32_1 = arith.constant 0 : i32
    %c0_i32_2 = arith.constant 0 : i32
    return %c0_i32, %c0_i32_0, %c0_i32_1 : i32, i32, i32
  }
  func.func @transform_2(%arg0: i32) -> (i32, i32, i32) {
    %c0_i32 = arith.constant 0 : i32
    %c0_i32_0 = arith.constant 0 : i32
    %c0_i32_1 = arith.constant 0 : i32
    return %arg0, %c0_i32, %c0_i32_0 : i32, i32, i32
  }
  func.func @transform_3(%arg0: i32) -> (i32, i32) {
    %c0_i32 = arith.constant 0 : i32
    %c0_i32_0 = arith.constant 0 : i32
    %c0_i32_1 = arith.constant 0 : i32
    return %c0_i32, %c0_i32_0 : i32, i32
  }
  func.func @transform_4(%arg0: i32) -> (i32, i32) {
    %c0_i32 = arith.constant 0 : i32
    %c0_i32_0 = arith.constant 0 : i32
    %c0_i32_1 = arith.constant 0 : i32
    return %c0_i32, %c0_i32_0 : i32, i32
  }
  func.func @transform_5(%arg0: i32) -> (i32, i32) {
    %c0_i32 = arith.constant 0 : i32
    %c0_i32_0 = arith.constant 0 : i32
    return %arg0, %c0_i32 : i32, i32
  }
  func.func @transform_6(%arg0: i32) -> (i32, i32, i32) {
    %c0_i32 = arith.constant 0 : i32
    %c0_i32_0 = arith.constant 0 : i32
    %c0_i32_1 = arith.constant 0 : i32
    return %arg0, %c0_i32, %c0_i32_0 : i32, i32, i32
  }
  func.func @transform_7(%arg0: i32) -> (i32, i32, i32) {
    %c0_i32 = arith.constant 0 : i32
    %c0_i32_0 = arith.constant 0 : i32
    %c0_i32_1 = arith.constant 0 : i32
    return %arg0, %c0_i32, %c0_i32_0 : i32, i32, i32
  }
  func.func @transform_8(%arg0: i32) -> (i32, i32, i32) {
    %c0_i32 = arith.constant 0 : i32
    %c0_i32_0 = arith.constant 0 : i32
    %c0_i32_1 = arith.constant 0 : i32
    return %arg0, %c0_i32, %c0_i32_0 : i32, i32, i32
  }
}

module attributes {stable_mosaic.version = 14 : i64} {
  func.func @_loop_kernel(%arg0: i32, %arg1: memref<512x128xf8E4M3FN, #tpu.memory_space<vmem>>, %arg2: memref<4096x128xf8E4M3FN, #tpu.memory_space<vmem>>, %arg3: memref<4096x128xf8E4M3FN, #tpu.memory_space<vmem>>, %arg4: memref<1x512x1xf32, #tpu.memory_space<vmem>>) attributes {dimension_semantics = [#tpu.dimension_semantics<arbitrary>], iteration_bounds = array<i64: 8>, scalar_prefetch = 0 : i64, scratch_operands = 0 : i64, tpu.core_type = #tpu.core_type<tc>, window_params = [{transform_indices = @transform_0, window_bounds = array<i64: 512, 128>}, {pipeline_mode = #tpu.pipeline_mode<synchronous>, transform_indices = @transform_1, window_bounds = array<i64: 4096, 128>}, {pipeline_mode = #tpu.pipeline_mode<synchronous>, transform_indices = @transform_2, window_bounds = array<i64: 4096, 128>}, {transform_indices = @transform_3, window_bounds = array<i64: 1, 512, 1>}]} {
    %get3A = arith.constant 0 : index
    %get3A_0 = arith.constant 0 : index
    %get3A_1 = vector.load %arg1[%get3A, %get3A_0] : memref<512x128xf8E4M3FN, #tpu.memory_space<vmem>>, vector<512x128xf8E4M3FN>
    %broadcast_in_dim3A = arith.constant 0.000000e+00 : f32
    %broadcast_in_dim3A_2 = vector.broadcast %broadcast_in_dim3A : f32 to vector<512x128xf32>
    %le3A = arith.constant 0 : i32
    %le3A_3 = arith.cmpi sle, %arg0, %le3A : i32
    %convert_element_type3A = arith.extui %le3A_3 : i1 to i32
    %add3A = arith.constant 0 : i32
    %add3A_4 = arith.addi %add3A, %convert_element_type3A : i32
    %mul3A = arith.constant 512 : i32
    %mul3A_5 = arith.muli %add3A_4, %mul3A : i32
    %get3A_6 = arith.index_cast %mul3A_5 : i32 to index
    %get3A_7 = arith.constant 0 : index
    %get3A_8 = vector.load %arg2[%get3A_6, %get3A_7] : memref<4096x128xf8E4M3FN, #tpu.memory_space<vmem>>, vector<512x128xf8E4M3FN>
    %mul3A_9 = arith.constant 512 : i32
    %mul3A_10 = arith.muli %add3A_4, %mul3A_9 : i32
    %get3A_11 = arith.index_cast %mul3A_10 : i32 to index
    %get3A_12 = arith.constant 0 : index
    %get3A_13 = vector.load %arg3[%get3A_11, %get3A_12] : memref<4096x128xf8E4M3FN, #tpu.memory_space<vmem>>, vector<512x128xf8E4M3FN>
    %dot_general3A = arith.constant dense<0.000000e+00> : vector<512x512xf32>
    %dot_general3A_14 = tpu.matmul %get3A_1, %get3A_8, %dot_general3A {dimension_numbers = #tpu.dot_dimension_numbers<[1], [1], [0], [0], [0, 0, 1, 0], [], []>, transpose_lhs_hint = false} : vector<512x128xf8E4M3FN>, vector<512x128xf8E4M3FN>, vector<512x512xf32> -> vector<512x512xf32>
    %dot_general3A_15 = arith.constant dense<0.000000e+00> : vector<512x512xf32>
    %dot_general3A_16 = tpu.matmul %get3A_1, %get3A_13, %dot_general3A_15 {dimension_numbers = #tpu.dot_dimension_numbers<[1], [1], [0], [0], [0, 0, 1, 0], [], []>, transpose_lhs_hint = false} : vector<512x128xf8E4M3FN>, vector<512x128xf8E4M3FN>, vector<512x512xf32> -> vector<512x512xf32>
    %convert_element_type3A_17 = arith.truncf %dot_general3A_14 : vector<512x512xf32> to vector<512x512xbf16>
    %exp23A = math.exp2 %convert_element_type3A_17 : vector<512x512xbf16>
    %convert_element_type3A_18 = arith.truncf %dot_general3A_16 : vector<512x512xf32> to vector<512x512xbf16>
    %exp23A_19 = math.exp2 %convert_element_type3A_18 : vector<512x512xbf16>
    %slice3A = vector.extract_strided_slice %exp23A {offsets = [0, 0], sizes = [512, 128], strides = [1, 1]} : vector<512x512xbf16> to vector<512x128xbf16>
    %slice3A_20 = vector.extract_strided_slice %exp23A {offsets = [0, 128], sizes = [512, 128], strides = [1, 1]} : vector<512x512xbf16> to vector<512x128xbf16>
    %add3A_21 = arith.addf %slice3A, %slice3A_20 : vector<512x128xbf16>
    %slice3A_22 = vector.extract_strided_slice %exp23A {offsets = [0, 256], sizes = [512, 128], strides = [1, 1]} : vector<512x512xbf16> to vector<512x128xbf16>
    %slice3A_23 = vector.extract_strided_slice %exp23A {offsets = [0, 384], sizes = [512, 128], strides = [1, 1]} : vector<512x512xbf16> to vector<512x128xbf16>
    %add3A_24 = arith.addf %slice3A_22, %slice3A_23 : vector<512x128xbf16>
    %add3A_25 = arith.addf %add3A_21, %add3A_24 : vector<512x128xbf16>
    %slice3A_26 = vector.extract_strided_slice %exp23A_19 {offsets = [0, 0], sizes = [512, 128], strides = [1, 1]} : vector<512x512xbf16> to vector<512x128xbf16>
    %slice3A_27 = vector.extract_strided_slice %exp23A_19 {offsets = [0, 128], sizes = [512, 128], strides = [1, 1]} : vector<512x512xbf16> to vector<512x128xbf16>
    %add3A_28 = arith.addf %slice3A_26, %slice3A_27 : vector<512x128xbf16>
    %slice3A_29 = vector.extract_strided_slice %exp23A_19 {offsets = [0, 256], sizes = [512, 128], strides = [1, 1]} : vector<512x512xbf16> to vector<512x128xbf16>
    %slice3A_30 = vector.extract_strided_slice %exp23A_19 {offsets = [0, 384], sizes = [512, 128], strides = [1, 1]} : vector<512x512xbf16> to vector<512x128xbf16>
    %add3A_31 = arith.addf %slice3A_29, %slice3A_30 : vector<512x128xbf16>
    %add3A_32 = arith.addf %add3A_28, %add3A_31 : vector<512x128xbf16>
    %convert_element_type3A_33 = arith.extf %add3A_25 : vector<512x128xbf16> to vector<512x128xf32>
    %convert_element_type3A_34 = arith.extf %add3A_32 : vector<512x128xbf16> to vector<512x128xf32>
    %add3A_35 = arith.addf %convert_element_type3A_33, %convert_element_type3A_34 : vector<512x128xf32>
    %add3A_36 = arith.addf %broadcast_in_dim3A_2, %add3A_35 : vector<512x128xf32>
    %le3A_37 = arith.constant 1 : i32
    %le3A_38 = arith.cmpi sle, %arg0, %le3A_37 : i32
    %convert_element_type3A_39 = arith.extui %le3A_38 : i1 to i32
    %add3A_40 = arith.constant 1 : i32
    %add3A_41 = arith.addi %add3A_40, %convert_element_type3A_39 : i32
    %mul3A_42 = arith.constant 512 : i32
    %mul3A_43 = arith.muli %add3A_41, %mul3A_42 : i32
    %get3A_44 = arith.index_cast %mul3A_43 : i32 to index
    %get3A_45 = arith.constant 0 : index
    %get3A_46 = vector.load %arg2[%get3A_44, %get3A_45] : memref<4096x128xf8E4M3FN, #tpu.memory_space<vmem>>, vector<512x128xf8E4M3FN>
    %mul3A_47 = arith.constant 512 : i32
    %mul3A_48 = arith.muli %add3A_41, %mul3A_47 : i32
    %get3A_49 = arith.index_cast %mul3A_48 : i32 to index
    %get3A_50 = arith.constant 0 : index
    %get3A_51 = vector.load %arg3[%get3A_49, %get3A_50] : memref<4096x128xf8E4M3FN, #tpu.memory_space<vmem>>, vector<512x128xf8E4M3FN>
    %dot_general3A_52 = arith.constant dense<0.000000e+00> : vector<512x512xf32>
    %dot_general3A_53 = tpu.matmul %get3A_1, %get3A_46, %dot_general3A_52 {dimension_numbers = #tpu.dot_dimension_numbers<[1], [1], [0], [0], [0, 0, 1, 0], [], []>, transpose_lhs_hint = false} : vector<512x128xf8E4M3FN>, vector<512x128xf8E4M3FN>, vector<512x512xf32> -> vector<512x512xf32>
    %dot_general3A_54 = arith.constant dense<0.000000e+00> : vector<512x512xf32>
    %dot_general3A_55 = tpu.matmul %get3A_1, %get3A_51, %dot_general3A_54 {dimension_numbers = #tpu.dot_dimension_numbers<[1], [1], [0], [0], [0, 0, 1, 0], [], []>, transpose_lhs_hint = false} : vector<512x128xf8E4M3FN>, vector<512x128xf8E4M3FN>, vector<512x512xf32> -> vector<512x512xf32>
    %convert_element_type3A_56 = arith.truncf %dot_general3A_53 : vector<512x512xf32> to vector<512x512xbf16>
    %exp23A_57 = math.exp2 %convert_element_type3A_56 : vector<512x512xbf16>
    %convert_element_type3A_58 = arith.truncf %dot_general3A_55 : vector<512x512xf32> to vector<512x512xbf16>
    %exp23A_59 = math.exp2 %convert_element_type3A_58 : vector<512x512xbf16>
    %slice3A_60 = vector.extract_strided_slice %exp23A_57 {offsets = [0, 0], sizes = [512, 128], strides = [1, 1]} : vector<512x512xbf16> to vector<512x128xbf16>
    %slice3A_61 = vector.extract_strided_slice %exp23A_57 {offsets = [0, 128], sizes = [512, 128], strides = [1, 1]} : vector<512x512xbf16> to vector<512x128xbf16>
    %add3A_62 = arith.addf %slice3A_60, %slice3A_61 : vector<512x128xbf16>
    %slice3A_63 = vector.extract_strided_slice %exp23A_57 {offsets = [0, 256], sizes = [512, 128], strides = [1, 1]} : vector<512x512xbf16> to vector<512x128xbf16>
    %slice3A_64 = vector.extract_strided_slice %exp23A_57 {offsets = [0, 384], sizes = [512, 128], strides = [1, 1]} : vector<512x512xbf16> to vector<512x128xbf16>
    %add3A_65 = arith.addf %slice3A_63, %slice3A_64 : vector<512x128xbf16>
    %add3A_66 = arith.addf %add3A_62, %add3A_65 : vector<512x128xbf16>
    %slice3A_67 = vector.extract_strided_slice %exp23A_59 {offsets = [0, 0], sizes = [512, 128], strides = [1, 1]} : vector<512x512xbf16> to vector<512x128xbf16>
    %slice3A_68 = vector.extract_strided_slice %exp23A_59 {offsets = [0, 128], sizes = [512, 128], strides = [1, 1]} : vector<512x512xbf16> to vector<512x128xbf16>
    %add3A_69 = arith.addf %slice3A_67, %slice3A_68 : vector<512x128xbf16>
    %slice3A_70 = vector.extract_strided_slice %exp23A_59 {offsets = [0, 256], sizes = [512, 128], strides = [1, 1]} : vector<512x512xbf16> to vector<512x128xbf16>
    %slice3A_71 = vector.extract_strided_slice %exp23A_59 {offsets = [0, 384], sizes = [512, 128], strides = [1, 1]} : vector<512x512xbf16> to vector<512x128xbf16>
    %add3A_72 = arith.addf %slice3A_70, %slice3A_71 : vector<512x128xbf16>
    %add3A_73 = arith.addf %add3A_69, %add3A_72 : vector<512x128xbf16>
    %convert_element_type3A_74 = arith.extf %add3A_66 : vector<512x128xbf16> to vector<512x128xf32>
    %convert_element_type3A_75 = arith.extf %add3A_73 : vector<512x128xbf16> to vector<512x128xf32>
    %add3A_76 = arith.addf %convert_element_type3A_74, %convert_element_type3A_75 : vector<512x128xf32>
    %add3A_77 = arith.addf %add3A_36, %add3A_76 : vector<512x128xf32>
    %le3A_78 = arith.constant 2 : i32
    %le3A_79 = arith.cmpi sle, %arg0, %le3A_78 : i32
    %convert_element_type3A_80 = arith.extui %le3A_79 : i1 to i32
    %add3A_81 = arith.constant 2 : i32
    %add3A_82 = arith.addi %add3A_81, %convert_element_type3A_80 : i32
    %mul3A_83 = arith.constant 512 : i32
    %mul3A_84 = arith.muli %add3A_82, %mul3A_83 : i32
    %get3A_85 = arith.index_cast %mul3A_84 : i32 to index
    %get3A_86 = arith.constant 0 : index
    %get3A_87 = vector.load %arg2[%get3A_85, %get3A_86] : memref<4096x128xf8E4M3FN, #tpu.memory_space<vmem>>, vector<512x128xf8E4M3FN>
    %mul3A_88 = arith.constant 512 : i32
    %mul3A_89 = arith.muli %add3A_82, %mul3A_88 : i32
    %get3A_90 = arith.index_cast %mul3A_89 : i32 to index
    %get3A_91 = arith.constant 0 : index
    %get3A_92 = vector.load %arg3[%get3A_90, %get3A_91] : memref<4096x128xf8E4M3FN, #tpu.memory_space<vmem>>, vector<512x128xf8E4M3FN>
    %dot_general3A_93 = arith.constant dense<0.000000e+00> : vector<512x512xf32>
    %dot_general3A_94 = tpu.matmul %get3A_1, %get3A_87, %dot_general3A_93 {dimension_numbers = #tpu.dot_dimension_numbers<[1], [1], [0], [0], [0, 0, 1, 0], [], []>, transpose_lhs_hint = false} : vector<512x128xf8E4M3FN>, vector<512x128xf8E4M3FN>, vector<512x512xf32> -> vector<512x512xf32>
    %dot_general3A_95 = arith.constant dense<0.000000e+00> : vector<512x512xf32>
    %dot_general3A_96 = tpu.matmul %get3A_1, %get3A_92, %dot_general3A_95 {dimension_numbers = #tpu.dot_dimension_numbers<[1], [1], [0], [0], [0, 0, 1, 0], [], []>, transpose_lhs_hint = false} : vector<512x128xf8E4M3FN>, vector<512x128xf8E4M3FN>, vector<512x512xf32> -> vector<512x512xf32>
    %convert_element_type3A_97 = arith.truncf %dot_general3A_94 : vector<512x512xf32> to vector<512x512xbf16>
    %exp23A_98 = math.exp2 %convert_element_type3A_97 : vector<512x512xbf16>
    %convert_element_type3A_99 = arith.truncf %dot_general3A_96 : vector<512x512xf32> to vector<512x512xbf16>
    %exp23A_100 = math.exp2 %convert_element_type3A_99 : vector<512x512xbf16>
    %slice3A_101 = vector.extract_strided_slice %exp23A_98 {offsets = [0, 0], sizes = [512, 128], strides = [1, 1]} : vector<512x512xbf16> to vector<512x128xbf16>
    %slice3A_102 = vector.extract_strided_slice %exp23A_98 {offsets = [0, 128], sizes = [512, 128], strides = [1, 1]} : vector<512x512xbf16> to vector<512x128xbf16>
    %add3A_103 = arith.addf %slice3A_101, %slice3A_102 : vector<512x128xbf16>
    %slice3A_104 = vector.extract_strided_slice %exp23A_98 {offsets = [0, 256], sizes = [512, 128], strides = [1, 1]} : vector<512x512xbf16> to vector<512x128xbf16>
    %slice3A_105 = vector.extract_strided_slice %exp23A_98 {offsets = [0, 384], sizes = [512, 128], strides = [1, 1]} : vector<512x512xbf16> to vector<512x128xbf16>
    %add3A_106 = arith.addf %slice3A_104, %slice3A_105 : vector<512x128xbf16>
    %add3A_107 = arith.addf %add3A_103, %add3A_106 : vector<512x128xbf16>
    %slice3A_108 = vector.extract_strided_slice %exp23A_100 {offsets = [0, 0], sizes = [512, 128], strides = [1, 1]} : vector<512x512xbf16> to vector<512x128xbf16>
    %slice3A_109 = vector.extract_strided_slice %exp23A_100 {offsets = [0, 128], sizes = [512, 128], strides = [1, 1]} : vector<512x512xbf16> to vector<512x128xbf16>
    %add3A_110 = arith.addf %slice3A_108, %slice3A_109 : vector<512x128xbf16>
    %slice3A_111 = vector.extract_strided_slice %exp23A_100 {offsets = [0, 256], sizes = [512, 128], strides = [1, 1]} : vector<512x512xbf16> to vector<512x128xbf16>
    %slice3A_112 = vector.extract_strided_slice %exp23A_100 {offsets = [0, 384], sizes = [512, 128], strides = [1, 1]} : vector<512x512xbf16> to vector<512x128xbf16>
    %add3A_113 = arith.addf %slice3A_111, %slice3A_112 : vector<512x128xbf16>
    %add3A_114 = arith.addf %add3A_110, %add3A_113 : vector<512x128xbf16>
    %convert_element_type3A_115 = arith.extf %add3A_107 : vector<512x128xbf16> to vector<512x128xf32>
    %convert_element_type3A_116 = arith.extf %add3A_114 : vector<512x128xbf16> to vector<512x128xf32>
    %add3A_117 = arith.addf %convert_element_type3A_115, %convert_element_type3A_116 : vector<512x128xf32>
    %add3A_118 = arith.addf %add3A_77, %add3A_117 : vector<512x128xf32>
    %le3A_119 = arith.constant 3 : i32
    %le3A_120 = arith.cmpi sle, %arg0, %le3A_119 : i32
    %convert_element_type3A_121 = arith.extui %le3A_120 : i1 to i32
    %add3A_122 = arith.constant 3 : i32
    %add3A_123 = arith.addi %add3A_122, %convert_element_type3A_121 : i32
    %mul3A_124 = arith.constant 512 : i32
    %mul3A_125 = arith.muli %add3A_123, %mul3A_124 : i32
    %get3A_126 = arith.index_cast %mul3A_125 : i32 to index
    %get3A_127 = arith.constant 0 : index
    %get3A_128 = vector.load %arg2[%get3A_126, %get3A_127] : memref<4096x128xf8E4M3FN, #tpu.memory_space<vmem>>, vector<512x128xf8E4M3FN>
    %mul3A_129 = arith.constant 512 : i32
    %mul3A_130 = arith.muli %add3A_123, %mul3A_129 : i32
    %get3A_131 = arith.index_cast %mul3A_130 : i32 to index
    %get3A_132 = arith.constant 0 : index
    %get3A_133 = vector.load %arg3[%get3A_131, %get3A_132] : memref<4096x128xf8E4M3FN, #tpu.memory_space<vmem>>, vector<512x128xf8E4M3FN>
    %dot_general3A_134 = arith.constant dense<0.000000e+00> : vector<512x512xf32>
    %dot_general3A_135 = tpu.matmul %get3A_1, %get3A_128, %dot_general3A_134 {dimension_numbers = #tpu.dot_dimension_numbers<[1], [1], [0], [0], [0, 0, 1, 0], [], []>, transpose_lhs_hint = false} : vector<512x128xf8E4M3FN>, vector<512x128xf8E4M3FN>, vector<512x512xf32> -> vector<512x512xf32>
    %dot_general3A_136 = arith.constant dense<0.000000e+00> : vector<512x512xf32>
    %dot_general3A_137 = tpu.matmul %get3A_1, %get3A_133, %dot_general3A_136 {dimension_numbers = #tpu.dot_dimension_numbers<[1], [1], [0], [0], [0, 0, 1, 0], [], []>, transpose_lhs_hint = false} : vector<512x128xf8E4M3FN>, vector<512x128xf8E4M3FN>, vector<512x512xf32> -> vector<512x512xf32>
    %convert_element_type3A_138 = arith.truncf %dot_general3A_135 : vector<512x512xf32> to vector<512x512xbf16>
    %exp23A_139 = math.exp2 %convert_element_type3A_138 : vector<512x512xbf16>
    %convert_element_type3A_140 = arith.truncf %dot_general3A_137 : vector<512x512xf32> to vector<512x512xbf16>
    %exp23A_141 = math.exp2 %convert_element_type3A_140 : vector<512x512xbf16>
    %slice3A_142 = vector.extract_strided_slice %exp23A_139 {offsets = [0, 0], sizes = [512, 128], strides = [1, 1]} : vector<512x512xbf16> to vector<512x128xbf16>
    %slice3A_143 = vector.extract_strided_slice %exp23A_139 {offsets = [0, 128], sizes = [512, 128], strides = [1, 1]} : vector<512x512xbf16> to vector<512x128xbf16>
    %add3A_144 = arith.addf %slice3A_142, %slice3A_143 : vector<512x128xbf16>
    %slice3A_145 = vector.extract_strided_slice %exp23A_139 {offsets = [0, 256], sizes = [512, 128], strides = [1, 1]} : vector<512x512xbf16> to vector<512x128xbf16>
    %slice3A_146 = vector.extract_strided_slice %exp23A_139 {offsets = [0, 384], sizes = [512, 128], strides = [1, 1]} : vector<512x512xbf16> to vector<512x128xbf16>
    %add3A_147 = arith.addf %slice3A_145, %slice3A_146 : vector<512x128xbf16>
    %add3A_148 = arith.addf %add3A_144, %add3A_147 : vector<512x128xbf16>
    %slice3A_149 = vector.extract_strided_slice %exp23A_141 {offsets = [0, 0], sizes = [512, 128], strides = [1, 1]} : vector<512x512xbf16> to vector<512x128xbf16>
    %slice3A_150 = vector.extract_strided_slice %exp23A_141 {offsets = [0, 128], sizes = [512, 128], strides = [1, 1]} : vector<512x512xbf16> to vector<512x128xbf16>
    %add3A_151 = arith.addf %slice3A_149, %slice3A_150 : vector<512x128xbf16>
    %slice3A_152 = vector.extract_strided_slice %exp23A_141 {offsets = [0, 256], sizes = [512, 128], strides = [1, 1]} : vector<512x512xbf16> to vector<512x128xbf16>
    %slice3A_153 = vector.extract_strided_slice %exp23A_141 {offsets = [0, 384], sizes = [512, 128], strides = [1, 1]} : vector<512x512xbf16> to vector<512x128xbf16>
    %add3A_154 = arith.addf %slice3A_152, %slice3A_153 : vector<512x128xbf16>
    %add3A_155 = arith.addf %add3A_151, %add3A_154 : vector<512x128xbf16>
    %convert_element_type3A_156 = arith.extf %add3A_148 : vector<512x128xbf16> to vector<512x128xf32>
    %convert_element_type3A_157 = arith.extf %add3A_155 : vector<512x128xbf16> to vector<512x128xf32>
    %add3A_158 = arith.addf %convert_element_type3A_156, %convert_element_type3A_157 : vector<512x128xf32>
    %add3A_159 = arith.addf %add3A_118, %add3A_158 : vector<512x128xf32>
    %le3A_160 = arith.constant 4 : i32
    %le3A_161 = arith.cmpi sle, %arg0, %le3A_160 : i32
    %convert_element_type3A_162 = arith.extui %le3A_161 : i1 to i32
    %add3A_163 = arith.constant 4 : i32
    %add3A_164 = arith.addi %add3A_163, %convert_element_type3A_162 : i32
    %mul3A_165 = arith.constant 512 : i32
    %mul3A_166 = arith.muli %add3A_164, %mul3A_165 : i32
    %get3A_167 = arith.index_cast %mul3A_166 : i32 to index
    %get3A_168 = arith.constant 0 : index
    %get3A_169 = vector.load %arg2[%get3A_167, %get3A_168] : memref<4096x128xf8E4M3FN, #tpu.memory_space<vmem>>, vector<512x128xf8E4M3FN>
    %mul3A_170 = arith.constant 512 : i32
    %mul3A_171 = arith.muli %add3A_164, %mul3A_170 : i32
    %get3A_172 = arith.index_cast %mul3A_171 : i32 to index
    %get3A_173 = arith.constant 0 : index
    %get3A_174 = vector.load %arg3[%get3A_172, %get3A_173] : memref<4096x128xf8E4M3FN, #tpu.memory_space<vmem>>, vector<512x128xf8E4M3FN>
    %dot_general3A_175 = arith.constant dense<0.000000e+00> : vector<512x512xf32>
    %dot_general3A_176 = tpu.matmul %get3A_1, %get3A_169, %dot_general3A_175 {dimension_numbers = #tpu.dot_dimension_numbers<[1], [1], [0], [0], [0, 0, 1, 0], [], []>, transpose_lhs_hint = false} : vector<512x128xf8E4M3FN>, vector<512x128xf8E4M3FN>, vector<512x512xf32> -> vector<512x512xf32>
    %dot_general3A_177 = arith.constant dense<0.000000e+00> : vector<512x512xf32>
    %dot_general3A_178 = tpu.matmul %get3A_1, %get3A_174, %dot_general3A_177 {dimension_numbers = #tpu.dot_dimension_numbers<[1], [1], [0], [0], [0, 0, 1, 0], [], []>, transpose_lhs_hint = false} : vector<512x128xf8E4M3FN>, vector<512x128xf8E4M3FN>, vector<512x512xf32> -> vector<512x512xf32>
    %convert_element_type3A_179 = arith.truncf %dot_general3A_176 : vector<512x512xf32> to vector<512x512xbf16>
    %exp23A_180 = math.exp2 %convert_element_type3A_179 : vector<512x512xbf16>
    %convert_element_type3A_181 = arith.truncf %dot_general3A_178 : vector<512x512xf32> to vector<512x512xbf16>
    %exp23A_182 = math.exp2 %convert_element_type3A_181 : vector<512x512xbf16>
    %slice3A_183 = vector.extract_strided_slice %exp23A_180 {offsets = [0, 0], sizes = [512, 128], strides = [1, 1]} : vector<512x512xbf16> to vector<512x128xbf16>
    %slice3A_184 = vector.extract_strided_slice %exp23A_180 {offsets = [0, 128], sizes = [512, 128], strides = [1, 1]} : vector<512x512xbf16> to vector<512x128xbf16>
    %add3A_185 = arith.addf %slice3A_183, %slice3A_184 : vector<512x128xbf16>
    %slice3A_186 = vector.extract_strided_slice %exp23A_180 {offsets = [0, 256], sizes = [512, 128], strides = [1, 1]} : vector<512x512xbf16> to vector<512x128xbf16>
    %slice3A_187 = vector.extract_strided_slice %exp23A_180 {offsets = [0, 384], sizes = [512, 128], strides = [1, 1]} : vector<512x512xbf16> to vector<512x128xbf16>
    %add3A_188 = arith.addf %slice3A_186, %slice3A_187 : vector<512x128xbf16>
    %add3A_189 = arith.addf %add3A_185, %add3A_188 : vector<512x128xbf16>
    %slice3A_190 = vector.extract_strided_slice %exp23A_182 {offsets = [0, 0], sizes = [512, 128], strides = [1, 1]} : vector<512x512xbf16> to vector<512x128xbf16>
    %slice3A_191 = vector.extract_strided_slice %exp23A_182 {offsets = [0, 128], sizes = [512, 128], strides = [1, 1]} : vector<512x512xbf16> to vector<512x128xbf16>
    %add3A_192 = arith.addf %slice3A_190, %slice3A_191 : vector<512x128xbf16>
    %slice3A_193 = vector.extract_strided_slice %exp23A_182 {offsets = [0, 256], sizes = [512, 128], strides = [1, 1]} : vector<512x512xbf16> to vector<512x128xbf16>
    %slice3A_194 = vector.extract_strided_slice %exp23A_182 {offsets = [0, 384], sizes = [512, 128], strides = [1, 1]} : vector<512x512xbf16> to vector<512x128xbf16>
    %add3A_195 = arith.addf %slice3A_193, %slice3A_194 : vector<512x128xbf16>
    %add3A_196 = arith.addf %add3A_192, %add3A_195 : vector<512x128xbf16>
    %convert_element_type3A_197 = arith.extf %add3A_189 : vector<512x128xbf16> to vector<512x128xf32>
    %convert_element_type3A_198 = arith.extf %add3A_196 : vector<512x128xbf16> to vector<512x128xf32>
    %add3A_199 = arith.addf %convert_element_type3A_197, %convert_element_type3A_198 : vector<512x128xf32>
    %add3A_200 = arith.addf %add3A_159, %add3A_199 : vector<512x128xf32>
    %le3A_201 = arith.constant 5 : i32
    %le3A_202 = arith.cmpi sle, %arg0, %le3A_201 : i32
    %convert_element_type3A_203 = arith.extui %le3A_202 : i1 to i32
    %add3A_204 = arith.constant 5 : i32
    %add3A_205 = arith.addi %add3A_204, %convert_element_type3A_203 : i32
    %mul3A_206 = arith.constant 512 : i32
    %mul3A_207 = arith.muli %add3A_205, %mul3A_206 : i32
    %get3A_208 = arith.index_cast %mul3A_207 : i32 to index
    %get3A_209 = arith.constant 0 : index
    %get3A_210 = vector.load %arg2[%get3A_208, %get3A_209] : memref<4096x128xf8E4M3FN, #tpu.memory_space<vmem>>, vector<512x128xf8E4M3FN>
    %mul3A_211 = arith.constant 512 : i32
    %mul3A_212 = arith.muli %add3A_205, %mul3A_211 : i32
    %get3A_213 = arith.index_cast %mul3A_212 : i32 to index
    %get3A_214 = arith.constant 0 : index
    %get3A_215 = vector.load %arg3[%get3A_213, %get3A_214] : memref<4096x128xf8E4M3FN, #tpu.memory_space<vmem>>, vector<512x128xf8E4M3FN>
    %dot_general3A_216 = arith.constant dense<0.000000e+00> : vector<512x512xf32>
    %dot_general3A_217 = tpu.matmul %get3A_1, %get3A_210, %dot_general3A_216 {dimension_numbers = #tpu.dot_dimension_numbers<[1], [1], [0], [0], [0, 0, 1, 0], [], []>, transpose_lhs_hint = false} : vector<512x128xf8E4M3FN>, vector<512x128xf8E4M3FN>, vector<512x512xf32> -> vector<512x512xf32>
    %dot_general3A_218 = arith.constant dense<0.000000e+00> : vector<512x512xf32>
    %dot_general3A_219 = tpu.matmul %get3A_1, %get3A_215, %dot_general3A_218 {dimension_numbers = #tpu.dot_dimension_numbers<[1], [1], [0], [0], [0, 0, 1, 0], [], []>, transpose_lhs_hint = false} : vector<512x128xf8E4M3FN>, vector<512x128xf8E4M3FN>, vector<512x512xf32> -> vector<512x512xf32>
    %convert_element_type3A_220 = arith.truncf %dot_general3A_217 : vector<512x512xf32> to vector<512x512xbf16>
    %exp23A_221 = math.exp2 %convert_element_type3A_220 : vector<512x512xbf16>
    %convert_element_type3A_222 = arith.truncf %dot_general3A_219 : vector<512x512xf32> to vector<512x512xbf16>
    %exp23A_223 = math.exp2 %convert_element_type3A_222 : vector<512x512xbf16>
    %slice3A_224 = vector.extract_strided_slice %exp23A_221 {offsets = [0, 0], sizes = [512, 128], strides = [1, 1]} : vector<512x512xbf16> to vector<512x128xbf16>
    %slice3A_225 = vector.extract_strided_slice %exp23A_221 {offsets = [0, 128], sizes = [512, 128], strides = [1, 1]} : vector<512x512xbf16> to vector<512x128xbf16>
    %add3A_226 = arith.addf %slice3A_224, %slice3A_225 : vector<512x128xbf16>
    %slice3A_227 = vector.extract_strided_slice %exp23A_221 {offsets = [0, 256], sizes = [512, 128], strides = [1, 1]} : vector<512x512xbf16> to vector<512x128xbf16>
    %slice3A_228 = vector.extract_strided_slice %exp23A_221 {offsets = [0, 384], sizes = [512, 128], strides = [1, 1]} : vector<512x512xbf16> to vector<512x128xbf16>
    %add3A_229 = arith.addf %slice3A_227, %slice3A_228 : vector<512x128xbf16>
    %add3A_230 = arith.addf %add3A_226, %add3A_229 : vector<512x128xbf16>
    %slice3A_231 = vector.extract_strided_slice %exp23A_223 {offsets = [0, 0], sizes = [512, 128], strides = [1, 1]} : vector<512x512xbf16> to vector<512x128xbf16>
    %slice3A_232 = vector.extract_strided_slice %exp23A_223 {offsets = [0, 128], sizes = [512, 128], strides = [1, 1]} : vector<512x512xbf16> to vector<512x128xbf16>
    %add3A_233 = arith.addf %slice3A_231, %slice3A_232 : vector<512x128xbf16>
    %slice3A_234 = vector.extract_strided_slice %exp23A_223 {offsets = [0, 256], sizes = [512, 128], strides = [1, 1]} : vector<512x512xbf16> to vector<512x128xbf16>
    %slice3A_235 = vector.extract_strided_slice %exp23A_223 {offsets = [0, 384], sizes = [512, 128], strides = [1, 1]} : vector<512x512xbf16> to vector<512x128xbf16>
    %add3A_236 = arith.addf %slice3A_234, %slice3A_235 : vector<512x128xbf16>
    %add3A_237 = arith.addf %add3A_233, %add3A_236 : vector<512x128xbf16>
    %convert_element_type3A_238 = arith.extf %add3A_230 : vector<512x128xbf16> to vector<512x128xf32>
    %convert_element_type3A_239 = arith.extf %add3A_237 : vector<512x128xbf16> to vector<512x128xf32>
    %add3A_240 = arith.addf %convert_element_type3A_238, %convert_element_type3A_239 : vector<512x128xf32>
    %add3A_241 = arith.addf %add3A_200, %add3A_240 : vector<512x128xf32>
    %le3A_242 = arith.constant 6 : i32
    %le3A_243 = arith.cmpi sle, %arg0, %le3A_242 : i32
    %convert_element_type3A_244 = arith.extui %le3A_243 : i1 to i32
    %add3A_245 = arith.constant 6 : i32
    %add3A_246 = arith.addi %add3A_245, %convert_element_type3A_244 : i32
    %mul3A_247 = arith.constant 512 : i32
    %mul3A_248 = arith.muli %add3A_246, %mul3A_247 : i32
    %get3A_249 = arith.index_cast %mul3A_248 : i32 to index
    %get3A_250 = arith.constant 0 : index
    %get3A_251 = vector.load %arg2[%get3A_249, %get3A_250] : memref<4096x128xf8E4M3FN, #tpu.memory_space<vmem>>, vector<512x128xf8E4M3FN>
    %mul3A_252 = arith.constant 512 : i32
    %mul3A_253 = arith.muli %add3A_246, %mul3A_252 : i32
    %get3A_254 = arith.index_cast %mul3A_253 : i32 to index
    %get3A_255 = arith.constant 0 : index
    %get3A_256 = vector.load %arg3[%get3A_254, %get3A_255] : memref<4096x128xf8E4M3FN, #tpu.memory_space<vmem>>, vector<512x128xf8E4M3FN>
    %dot_general3A_257 = arith.constant dense<0.000000e+00> : vector<512x512xf32>
    %dot_general3A_258 = tpu.matmul %get3A_1, %get3A_251, %dot_general3A_257 {dimension_numbers = #tpu.dot_dimension_numbers<[1], [1], [0], [0], [0, 0, 1, 0], [], []>, transpose_lhs_hint = false} : vector<512x128xf8E4M3FN>, vector<512x128xf8E4M3FN>, vector<512x512xf32> -> vector<512x512xf32>
    %dot_general3A_259 = arith.constant dense<0.000000e+00> : vector<512x512xf32>
    %dot_general3A_260 = tpu.matmul %get3A_1, %get3A_256, %dot_general3A_259 {dimension_numbers = #tpu.dot_dimension_numbers<[1], [1], [0], [0], [0, 0, 1, 0], [], []>, transpose_lhs_hint = false} : vector<512x128xf8E4M3FN>, vector<512x128xf8E4M3FN>, vector<512x512xf32> -> vector<512x512xf32>
    %convert_element_type3A_261 = arith.truncf %dot_general3A_258 : vector<512x512xf32> to vector<512x512xbf16>
    %exp23A_262 = math.exp2 %convert_element_type3A_261 : vector<512x512xbf16>
    %convert_element_type3A_263 = arith.truncf %dot_general3A_260 : vector<512x512xf32> to vector<512x512xbf16>
    %exp23A_264 = math.exp2 %convert_element_type3A_263 : vector<512x512xbf16>
    %slice3A_265 = vector.extract_strided_slice %exp23A_262 {offsets = [0, 0], sizes = [512, 128], strides = [1, 1]} : vector<512x512xbf16> to vector<512x128xbf16>
    %slice3A_266 = vector.extract_strided_slice %exp23A_262 {offsets = [0, 128], sizes = [512, 128], strides = [1, 1]} : vector<512x512xbf16> to vector<512x128xbf16>
    %add3A_267 = arith.addf %slice3A_265, %slice3A_266 : vector<512x128xbf16>
    %slice3A_268 = vector.extract_strided_slice %exp23A_262 {offsets = [0, 256], sizes = [512, 128], strides = [1, 1]} : vector<512x512xbf16> to vector<512x128xbf16>
    %slice3A_269 = vector.extract_strided_slice %exp23A_262 {offsets = [0, 384], sizes = [512, 128], strides = [1, 1]} : vector<512x512xbf16> to vector<512x128xbf16>
    %add3A_270 = arith.addf %slice3A_268, %slice3A_269 : vector<512x128xbf16>
    %add3A_271 = arith.addf %add3A_267, %add3A_270 : vector<512x128xbf16>
    %slice3A_272 = vector.extract_strided_slice %exp23A_264 {offsets = [0, 0], sizes = [512, 128], strides = [1, 1]} : vector<512x512xbf16> to vector<512x128xbf16>
    %slice3A_273 = vector.extract_strided_slice %exp23A_264 {offsets = [0, 128], sizes = [512, 128], strides = [1, 1]} : vector<512x512xbf16> to vector<512x128xbf16>
    %add3A_274 = arith.addf %slice3A_272, %slice3A_273 : vector<512x128xbf16>
    %slice3A_275 = vector.extract_strided_slice %exp23A_264 {offsets = [0, 256], sizes = [512, 128], strides = [1, 1]} : vector<512x512xbf16> to vector<512x128xbf16>
    %slice3A_276 = vector.extract_strided_slice %exp23A_264 {offsets = [0, 384], sizes = [512, 128], strides = [1, 1]} : vector<512x512xbf16> to vector<512x128xbf16>
    %add3A_277 = arith.addf %slice3A_275, %slice3A_276 : vector<512x128xbf16>
    %add3A_278 = arith.addf %add3A_274, %add3A_277 : vector<512x128xbf16>
    %convert_element_type3A_279 = arith.extf %add3A_271 : vector<512x128xbf16> to vector<512x128xf32>
    %convert_element_type3A_280 = arith.extf %add3A_278 : vector<512x128xbf16> to vector<512x128xf32>
    %add3A_281 = arith.addf %convert_element_type3A_279, %convert_element_type3A_280 : vector<512x128xf32>
    %add3A_282 = arith.addf %add3A_241, %add3A_281 : vector<512x128xf32>
    %reduce_sum3A = arith.constant dense<0.000000e+00> : vector<512xf32>
    %reduce_sum3A_283 = vector.multi_reduction <add>, %add3A_282, %reduce_sum3A [1] : vector<512x128xf32> to vector<512xf32>
    %broadcast_in_dim3A_284 = vector.shape_cast %reduce_sum3A_283 : vector<512xf32> to vector<512x1xf32>
    %broadcast_in_dim3A_285 = vector.shape_cast %broadcast_in_dim3A_284 : vector<512x1xf32> to vector<1x512x1xf32>
    %swap3A = arith.constant 0 : index
    %swap3A_286 = arith.constant 0 : index
    %swap3A_287 = arith.constant 0 : index
    %swap3A_288 = vector.load %arg4[%swap3A, %swap3A_286, %swap3A_287] : memref<1x512x1xf32, #tpu.memory_space<vmem>>, vector<1x512x1xf32>
    tpu.vector_store %arg4[%swap3A, %swap3A_286, %swap3A_287], %broadcast_in_dim3A_285 {strides = array<i32>} : memref<1x512x1xf32, #tpu.memory_space<vmem>>, vector<1x512x1xf32>,
    return
  }
  func.func @transform_0(%arg0: i32) -> (i32, i32) {
    %c0_i32 = arith.constant 0 : i32
    %c0_i32_0 = arith.constant 0 : i32
    return %arg0, %c0_i32 : i32, i32
  }
  func.func @transform_1(%arg0: i32) -> (i32, i32) {
    %c0_i32 = arith.constant 0 : i32
    %c0_i32_0 = arith.constant 0 : i32
    %c0_i32_1 = arith.constant 0 : i32
    return %c0_i32, %c0_i32_0 : i32, i32
  }
  func.func @transform_2(%arg0: i32) -> (i32, i32) {
    %c0_i32 = arith.constant 0 : i32
    %c0_i32_0 = arith.constant 0 : i32
    %c0_i32_1 = arith.constant 0 : i32
    return %c0_i32, %c0_i32_0 : i32, i32
  }
  func.func @transform_3(%arg0: i32) -> (i32, i32, i32) {
    %c0_i32 = arith.constant 0 : i32
    %c0_i32_0 = arith.constant 0 : i32
    %c0_i32_1 = arith.constant 0 : i32
    return %arg0, %c0_i32, %c0_i32_0 : i32, i32, i32
  }
}

module attributes {stable_mosaic.version = 14 : i64} {
  func.func @_combine_kernel(%arg0: memref<8x512x1xf32, #tpu.memory_space<vmem>>, %arg1: memref<4096x128xf32, #tpu.memory_space<vmem>>, %arg2: memref<8x512x1xi32, #tpu.memory_space<vmem>>, %arg3: memref<8x512x1xf32, #tpu.memory_space<vmem>>, %arg4: memref<8x1x1xf32, #tpu.memory_space<vmem>>, %arg5: memref<8x1x1xi32, #tpu.memory_space<vmem>>) attributes {dimension_semantics = [], scalar_prefetch = 0 : i64, scratch_operands = 0 : i64, tpu.core_type = #tpu.core_type<tc>} {
    %get3A = arith.constant 0 : index
    %get3A_0 = arith.constant 0 : index
    %get3A_1 = vector.load %arg1[%get3A, %get3A_0] : memref<4096x128xf32, #tpu.memory_space<vmem>>, vector<4096x128xf32>
    %get3A_2 = arith.constant 0 : index
    %get3A_3 = arith.constant 0 : index
    %get3A_4 = arith.constant 0 : index
    %get3A_5 = vector.load %arg2[%get3A_2, %get3A_3, %get3A_4] : memref<8x512x1xi32, #tpu.memory_space<vmem>>, vector<8x512x1xi32>
    %reshape3A = vector.shape_cast %get3A_5 : vector<8x512x1xi32> to vector<4096x1xi32>
    %iota3A = tpu.iota {dimensions = array<i32: 1>} : vector<4096x128xi32>
    %eq3A = vector.broadcast %reshape3A : vector<4096x1xi32> to vector<4096x128xi32>
    %eq3A_6 = arith.cmpi eq, %iota3A, %eq3A : vector<4096x128xi32>
    %jit3A = arith.constant 0.000000e+00 : f32
    %broadcast_in_dim3A = vector.broadcast %jit3A : f32 to vector<4096x128xf32>
    %select_n3A = arith.select %eq3A_6, %get3A_1, %broadcast_in_dim3A : vector<4096x128xi1>, vector<4096x128xf32>
    %reduce_sum3A = arith.constant dense<0.000000e+00> : vector<4096xf32>
    %reduce_sum3A_7 = vector.multi_reduction <add>, %select_n3A, %reduce_sum3A [1] : vector<4096x128xf32> to vector<4096xf32>
    %broadcast_in_dim3A_8 = vector.shape_cast %reduce_sum3A_7 : vector<4096xf32> to vector<4096x1xf32>
    %get3A_9 = arith.constant 0 : index
    %get3A_10 = arith.constant 0 : index
    %get3A_11 = arith.constant 0 : index
    %get3A_12 = vector.load %arg0[%get3A_9, %get3A_10, %get3A_11] : memref<8x512x1xf32, #tpu.memory_space<vmem>>, vector<8x512x1xf32>
    %reshape3A_13 = vector.shape_cast %get3A_12 : vector<8x512x1xf32> to vector<4096x1xf32>
    %mul3A = arith.constant 14.4269505 : f32
    %mul3A_14 = vector.broadcast %mul3A : f32 to vector<4096x1xf32>
    %mul3A_15 = arith.mulf %broadcast_in_dim3A_8, %mul3A_14 : vector<4096x1xf32>
    %exp23A = math.exp2 %mul3A_15 : vector<4096x1xf32>
    %add3A = arith.addf %reshape3A_13, %exp23A : vector<4096x1xf32>
    %log3A = math.log %add3A : vector<4096x1xf32>
    %mul3A_16 = arith.constant 1.000000e+01 : f32
    %mul3A_17 = vector.broadcast %mul3A_16 : f32 to vector<4096x1xf32>
    %mul3A_18 = arith.mulf %broadcast_in_dim3A_8, %mul3A_17 : vector<4096x1xf32>
    %sub3A = arith.subf %log3A, %mul3A_18 : vector<4096x1xf32>
    %get3A_19 = arith.constant 0 : index
    %get3A_20 = arith.constant 0 : index
    %get3A_21 = arith.constant 0 : index
    %get3A_22 = vector.load %arg3[%get3A_19, %get3A_20, %get3A_21] : memref<8x512x1xf32, #tpu.memory_space<vmem>>, vector<8x512x1xf32>
    %reshape3A_23 = vector.shape_cast %get3A_22 : vector<8x512x1xf32> to vector<4096x1xf32>
    %ge3A = arith.constant 8.000000e-01 : f32
    %ge3A_24 = vector.broadcast %ge3A : f32 to vector<4096x1xf32>
    %ge3A_25 = arith.cmpf oge, %reshape3A_23, %ge3A_24 : vector<4096x1xf32>
    %convert_element_type3A = arith.extui %ge3A_25 : vector<4096x1xi1> to vector<4096x1xi32>
    %convert_element_type3A_26 = arith.sitofp %convert_element_type3A : vector<4096x1xi32> to vector<4096x1xf32>
    %mul3A_27 = arith.mulf %sub3A, %convert_element_type3A_26 : vector<4096x1xf32>
    %reshape3A_28 = vector.shape_cast %mul3A_27 : vector<4096x1xf32> to vector<8x512xf32>
    %reshape3A_29 = vector.shape_cast %convert_element_type3A_26 : vector<4096x1xf32> to vector<8x512xf32>
    %reduce_sum3A_30 = arith.constant dense<0.000000e+00> : vector<8xf32>
    %reduce_sum3A_31 = vector.multi_reduction <add>, %reshape3A_29, %reduce_sum3A_30 [1] : vector<8x512xf32> to vector<8xf32>
    %broadcast_in_dim3A_32 = vector.shape_cast %reduce_sum3A_31 : vector<8xf32> to vector<8x1xf32>
    %reduce_sum3A_33 = arith.constant dense<0.000000e+00> : vector<8xf32>
    %reduce_sum3A_34 = vector.multi_reduction <add>, %reshape3A_28, %reduce_sum3A_33 [1] : vector<8x512xf32> to vector<8xf32>
    %broadcast_in_dim3A_35 = vector.shape_cast %reduce_sum3A_34 : vector<8xf32> to vector<8x1xf32>
    %div3A = arith.divf %broadcast_in_dim3A_35, %broadcast_in_dim3A_32 : vector<8x1xf32>
    %broadcast_in_dim3A_36 = vector.shape_cast %div3A : vector<8x1xf32> to vector<8x1x1xf32>
    %swap3A = arith.constant 0 : index
    %swap3A_37 = arith.constant 0 : index
    %swap3A_38 = arith.constant 0 : index
    %swap3A_39 = vector.load %arg4[%swap3A, %swap3A_37, %swap3A_38] : memref<8x1x1xf32, #tpu.memory_space<vmem>>, vector<8x1x1xf32>
    tpu.vector_store %arg4[%swap3A, %swap3A_37, %swap3A_38], %broadcast_in_dim3A_36 {strides = array<i32>} : memref<8x1x1xf32, #tpu.memory_space<vmem>>, vector<8x1x1xf32>,
    %convert_element_type3A_40 = arith.fptosi %broadcast_in_dim3A_32 : vector<8x1xf32> to vector<8x1xi32>
    %broadcast_in_dim3A_41 = vector.shape_cast %convert_element_type3A_40 : vector<8x1xi32> to vector<8x1x1xi32>
    %swap3A_42 = arith.constant 0 : index
    %swap3A_43 = arith.constant 0 : index
    %swap3A_44 = arith.constant 0 : index
    %swap3A_45 = vector.load %arg5[%swap3A_42, %swap3A_43, %swap3A_44] : memref<8x1x1xi32, #tpu.memory_space<vmem>>, vector<8x1x1xi32>
    tpu.vector_store %arg5[%swap3A_42, %swap3A_43, %swap3A_44], %broadcast_in_dim3A_41 {strides = array<i32>} : memref<8x1x1xi32, #tpu.memory_space<vmem>>, vector<8x1x1xi32>,
    return
  }
}

</mosaic_0001>

<sc_bundles>
// kernel: kernel.6.cloned.1.call-start
scs
__scs_entry_jumppad:
0x0: {  	(pc) =	sbr.rel $0x88, $3  }
0x1: {  	(tag) =	ssettag $0x0;
	lr =	simm.s32 $0x1  }
0x2: {  	[smem:$0x3F9D] =	sst lr;
	_ =	strace $0xD0000000  }
0x3: {  	_ = 	snop  }
0x4: {  	_ = 	snop  }
0x5: {  	_ = 	snop  }
0x6: {  	_ = 	snop  }
0x7: {  	_ = 	snop  }
__scs_overlays_trampoline_lowered:
0x8: {  	[smem:$0x3FAC] =	sst s0  }
0x9: {  	[smem:$0x3FAD] =	sst s1  }
0xa: {  	[smem:$0x3FAE] =	sst s2  }
0xb: {  	[smem:$0x3FAF] =	sst s3  }
0xc: {  	[smem:$0x3FB0] =	sst s4  }
0xd: {  	[smem:$0x3FB1] =	sst s5  }
0xe: {  	[smem:$0x3FB2] =	sst s6  }
0xf: {  	[smem:$0x3FB3] =	sst s7  }
0x10: {  	[smem:$0x3FB4] =	sst s8  }
0x11: {  	[smem:$0x3FB5] =	sst s9;
	s0 =	simm.s32 @!p0 $0x0  }
0x12: {  	s1 =	sld [smem:$0x3F9B];
	s0 =	simm.s32 @p0 $0x1  }
0x13: {  	[smem:$0x3FB6] =	sst s0;
	s0 =	simm.s32 @!p1 $0x0  }
0x14: {  	s2 =	sld [smem:$0x3F9A];
	s0 =	simm.s32 @p1 $0x1  }
0x15: {  	[smem:$0x3FB7] =	sst s0;
	s0 =	simm.s32 @!p2 $0x0  }
0x16: {  	s3 =	sld [smem:$0x3FDB];
	s0 =	simm.s32 @p2 $0x1  }
0x17: {  	s4 =	simm.s32 $0x1BF5;
	[smem:$0x3FB9] =	sst s0  }
0x18: {  	s0 =	sld [smem:$0x3F9C];
	_ =	swait.ge [sflag:s4], $0x0  }
0x19: {  	s7 =	sld [smem:$0x3F9D]  }
0x1a: {  	s8 =	sadd.s32 $0xFFFFE003, lr  }
0x1b: {  	s9 =	sadd.s32 $0xFFFFFEF7, lr;
	s5 =	simm.s32 $0xFFFFFFFF;
	p2 =	slt.u32 s8, $0xFFFFF086  }
0x1c: {  	p1 =	slt.u32 s9, $0xF7A;
	s5 =	simm.s32 @!p2 $0x0  }
0x1d: {  	s5 =	simm.s32 @p1 $0x1;
	p0 =	seq.s32 s7, s2  }
0x1e: {  	s7 =	smul.u32 @!p0 $0xF7A, s2;
	p2 =	seq.s32 @!p0 s5, $0x0  }
0x1f: {  	s9 =	smul.u32 $0xF7A, s1;
	s8 =	simm.s32 @!p0 $0x1BF5;
	p2 =	por !p2, p0  }
0x20: {  	[sflag:s8] =	ssyncset.s32 @!p0 $0xFFFFF086;
	s6 =	sadd.s32 @!p0 s3, s7;
	s7 =	simm.s32 @!p0 $0x108  }
0x21: {  	s3 =	sadd.s32 s3, s9;
	s6 =	sadd.s32 @!p0 $0x88, s6;
	s7 =	simm.s32 @p2 $0x1082  }
0x22: {  	[simem:s7], [sflag:s8] =	dma.local @!p0 [hbm:s6], $0xF7A  }
0x23: {  	s9 =	sor.u32 $0xD0000000, s2;
	s6 =	simm.s32 $0x108;
	_ =	swait.ge @!p0 [sflag:s8], $0x0  }
0x24: {  	s3 =	sadd.s32 $0x88, s3;
	s6 =	simm.s32 @!p1 $0x1082;
	[sflag:s4] =	ssyncset.s32 $0xFFFFF086  }
0x25: {  	[simem:s6], [sflag:s4] =	dma.local [hbm:s3], $0xF7A  }
0x26: {  	[smem:$0x3F9D] =	sst s1;
	(tag) =	ssettag s2;
	_ =	strace s9  }
0x27: {  	s1 =	sld [smem:$0x3FAD]  }
0x28: {  	s2 =	sld [smem:$0x3FAE]  }
0x29: {  	s4 =	sld [smem:$0x3FB0]  }
0x2a: {  	p0 =	seq.s32 s5, $0x0;
	s5 =	sld [smem:$0x3FB1]  }
0x2b: {  	s6 =	sld [smem:$0x3FB2]  }
0x2c: {  	s7 =	sld [smem:$0x3FB3]  }
0x2d: {  	s3 =	simm.s32 $0x108;
	s8 =	sld [smem:$0x3FB4]  }
0x2e: {  	s3 =	simm.s32 @!p0 $0x1082;
	s9 =	sld [smem:$0x3FB5]  }
0x2f: {  	lr =	sadd.s32 s0, s3;
	s0 =	sld [smem:$0x3FAC]  }
0x30: {  	s3 =	sld [smem:$0x3FAF]  }
0x31: {  	[smem:$0x3FB8] =	sst s10  }
0x32: {  	s10 =	sld [smem:$0x3FB6];
	_ =	sdelay $0x3  }
0x33: {  	p0 =	seq.s32 s10, $0x1;
	s10 =	sld [smem:$0x3FB8];
	_ =	sdelay $0x3  }
0x34: {  	[smem:$0x3FB8] =	sst s10  }
0x35: {  	s10 =	sld [smem:$0x3FB7];
	_ =	sdelay $0x3  }
0x36: {  	p1 =	seq.s32 s10, $0x1;
	s10 =	sld [smem:$0x3FB8];
	_ =	sdelay $0x3  }
0x37: {  	[smem:$0x3FB8] =	sst s10  }
0x38: {  	s10 =	sld [smem:$0x3FB9]  }
0x39: {  	_ = 	snop;
	(pc) =	sbr.ind lr, $3  }
0x3a: {  	_ = 	snop  }
0x3b: {  	_ = 	snop  }
0x3c: {  	p2 =	seq.s32 s10, $0x1;
	s10 =	sld [smem:$0x3FB8]  }
0x3d: {  	_ =	shalt  }
0x3e: {  	_ =	shalt  }
0x3f: {  	_ =	shalt  }
0x40: {  	_ =	shalt  }
0x41: {  	_ =	shalt  }
0x42: {  	_ =	shalt  }
0x43: {  	_ =	shalt  }
0x44: {  	_ =	shalt  }
0x45: {  	_ =	shalt  }
0x46: {  	_ =	shalt  }
0x47: {  	_ =	shalt  }
0x48: {  	_ =	shalt  }
0x49: {  	_ =	shalt  }
0x4a: {  	_ =	shalt  }
0x4b: {  	_ =	shalt  }
0x4c: {  	_ =	shalt  }
0x4d: {  	_ =	shalt  }
0x4e: {  	_ =	shalt  }
0x4f: {  	_ =	shalt  }
0x50: {  	_ =	shalt  }
0x51: {  	_ =	shalt  }
0x52: {  	_ =	shalt  }
0x53: {  	_ =	shalt  }
0x54: {  	_ =	shalt  }
0x55: {  	_ =	shalt  }
0x56: {  	_ =	shalt  }
0x57: {  	_ =	shalt  }
0x58: {  	_ =	shalt  }
0x59: {  	_ =	shalt  }
0x5a: {  	_ =	shalt  }
0x5b: {  	_ =	shalt  }
0x5c: {  	_ =	shalt  }
0x5d: {  	_ =	shalt  }
0x5e: {  	_ =	shalt  }
0x5f: {  	_ =	shalt  }
0x60: {  	_ =	shalt  }
0x61: {  	_ =	shalt  }
0x62: {  	_ =	shalt  }
0x63: {  	_ =	shalt  }
0x64: {  	_ =	shalt  }
0x65: {  	_ =	shalt  }
0x66: {  	_ =	shalt  }
0x67: {  	_ =	shalt  }
0x68: {  	_ =	shalt  }
0x69: {  	_ =	shalt  }
0x6a: {  	_ =	shalt  }
0x6b: {  	_ =	shalt  }
0x6c: {  	_ =	shalt  }
0x6d: {  	_ =	shalt  }
0x6e: {  	_ =	shalt  }
0x6f: {  	_ =	shalt  }
0x70: {  	_ =	shalt  }
0x71: {  	_ =	shalt  }
0x72: {  	_ =	shalt  }
0x73: {  	_ =	shalt  }
0x74: {  	_ =	shalt  }
0x75: {  	_ =	shalt  }
0x76: {  	_ =	shalt  }
0x77: {  	_ =	shalt  }
0x78: {  	_ =	shalt  }
0x79: {  	_ =	shalt  }
0x7a: {  	_ =	shalt  }
0x7b: {  	_ =	shalt  }
0x7c: {  	_ =	shalt  }
0x7d: {  	_ =	shalt  }
0x7e: {  	_ =	shalt  }
0x7f: {  	_ =	shalt  }
0x80: {  	_ =	shalt  }
0x81: {  	_ =	shalt  }
0x82: {  	_ =	shalt  }
0x83: {  	_ =	shalt  }
0x84: {  	_ =	shalt  }
0x85: {  	_ =	shalt  }
0x86: {  	_ =	shalt  }
0x87: {  	_ =	shalt  }
.Lfunc_end0:
.L_simem_size_0:
called_computation_lowered:
.L_overlay_start_0:
0x88: {  	s2 =	sld [smem:$0x3FD9]  }
0x89: {  	s3 =	sld [smem:$0x3FFE];
	_ =	sdelay $0x1  }
0x8a: {  	s1 =	srdreg.scid  }
0x8b: {  	s0 =	sand.u32 $0x1, s1  }
0x8c: {  	s16 =	sshll.u32 s0, $0xA;
	s2 =	sadd.s32 s3, s2  }
0x8d: {  	s2 =	sadd.s32 s2, s16  }
0x8e: {  	[smem:$0x3FC4] =	sst s2  }
0x8f: {  	_ = 	snop  }
0x90: {  	(tm) =	ssettm $0x1  }
0x91: {  	s17 =	sld [smem:$0x3FFB];
	_ =	sdelay $0x3  }
0x92: {  	_ =	strace s17  }
0x93: {  	s2 =	sld [smem:$0x3FFC];
	_ =	sdelay $0x3  }
0x94: {  	_ =	strace s2  }
0x95: {  	s2 =	sld [smem:$0x3FFD];
	_ =	sdelay $0x3  }
0x96: {  	_ =	strace s2  }
0x97: {  	_ =	strace $0x8FFFFFFF  }
0x98: {  	s18 =	sld [smem:$0x3FDB];
	_ =	sdelay $0x1  }
0x99: {  	s19 =	simm.s32 $_scs_section_size  }
0x9a: {  	s4 =	simm.s32 $_size__tile_overlayer_lowered;
	s5 =	simm.s32 $_tile_overlayer_lowered  }
0x9b: {  	s22 =	simm.s32 $0x1BFF;
	s21 =	sshll.u32 s5, $0x1;
	s2 =	sadd.s32 s19, s18  }
0x9c: {  	s6 =	simm.s32 $0x0;
	s20 =	sshll.u32 s4, $0x1;
	s4 =	sadd.s32 s21, s2  }
0x9d: {  	[timem:s6], [sflag:s22] =	dma.local [hbm:s4], s20  }
0x9e: {  	_ =	swait.ge [sflag:s22], s20  }
0x9f: {  	s3 =	ssub.s32 $0x0, s20;
	[sflag:s22] =	ssyncset.done $0x0  }
0xa0: {  	[sflag:s22] =	ssyncadd.s32 s3;
	_ =	sdelay $0x1  }
0xa1: {  	s23 =	simm.s32 $0x1B8B  }
0xa2: {  	_ =	swait.ge [sflag:s23], $0x1  }
0xa3: {  	[sflag:s23] =	ssyncset.done $0x0  }
0xa4: {  	s25 =	simm.s32 $0x1B8E;
	s24 =	sld [smem:$0x3FFE];
	[sflag:s23] =	ssyncadd.s32 $0xFFFFFFFF  }
0xa5: {  	s26 =	simm.s32 $execute0_lowered;
	[smem:$0x3FD2] =	sst s25  }
0xa6: {  	s4 =	sshll.u32 s26, $0x1;
	_ =	strace $0x80000046;
	[dreg:$0x1] =	wrdreg $0xFFFFFFFF  }
0xa7: {  	s28 =	simm.s32 $_size_execute0_lowered;
	s2 =	sadd.s32 s2, s4;
	[dreg:$0x0] =	wrdreg $0x0  }
0xa8: {  	s4 =	sshll.u32 s28, $0x1;
	[dreg:$0x2] =	wrdreg s2  }
0xa9: {  	[dreg:$0x3] =	wrdreg s4  }
0xaa: {  	[dreg:$0x4] =	wrdreg $0xC0  }
0xab: {  	_ =	task [dreg:s6], $0x5FFFF  }
0xac: {  	[dreg:$0x1] =	wrdreg $0xFFFFFFFF  }
0xad: {  	[dreg:$0x0] =	wrdreg $0x60  }
0xae: {  	[dreg:$0x2] =	wrdreg s24  }
0xaf: {  	[dreg:$0x3] =	wrdreg $0x9  }
0xb0: {  	_ =	task.clear_ibuf [dreg:s6], $0x4FFFF;
	_ =	strace $0x90000046  }
0xb1: {  	s29 =	simm.s32 $0x9;
	_ =	strace $0x80000048  }
0xb2: {  	_ =	swait.ge [sflag:s29], $0x1  }
0xb3: {  	[sflag:s29] =	ssyncadd.s32 $0xFFFFFFFF  }
0xb4: {  	_ =	strace $0x90000048  }
0xb5: {  	_ =	sfence  }
0xb6: {  	s30 =	sld [smem:$0x0];
	_ =	sdelay $0x2  }
0xb7: {  	s31 =	sshll.u32 s1, $0xD;
	s1 =	sshrl.u32 s1, $0x2  }
0xb8: {  	s3 =	sand.u32 $0x4000, s31;
	s1 =	sadd.s32 s1, s30  }
0xb9: {  	s0 =	sor.u32 s3, s0;
	s1 =	sshll.u32 s1, $0x11  }
0xba: {  	s0 =	sor.u32 s1, s0  }
0xbb: {  	s0 =	sadd.s32 $0x8F2B, s0  }
0xbc: {  	[sflag:s0] =	ssyncadd.remote.s32 $0x1  }
0xbd: {  	_ =	sfence.sel $0xFFFF  }
0xbe: {  	[dreg:$0x0] =	wrdreg $0xFFFFFFFF;
	(pc) =	sbr.abs _section_cstart, $3  }
0xbf: {  	[dreg:$0x1] =	wrdreg $0xFFFFFFFF  }
0xc0: {  	_ =	task.clear_ibuf [dreg:s6], $0x2FFFF;
	_ =	strace $0x9FFFFFFF  }
0xc1: {  	(tm) =	ssettm $0x7FFFFFFF  }
tec
execute0_lowered:
.L_overlay_start_1:
0x0: {  	(tag) =	ssettag $0x1  }
0x1: {  	s1 =	srdreg.scid  }
0x2: {  	s0 =	stileid.u32;
	s6 =	sand.u32 $0x1, s1  }
0x3: {  	s8 =	rddreg [dreg:$0x0];
	s30 =	sshll.u32 s0, $0x8;
	s2 =	sshll.u32 s6, $0x7  }
0x4: {  	s7 =	simm.s32 $0x1;
	s1 =	rddreg [dreg:$0x1];
	s9 =	sor.u32 s2, s30  }
0x5: {  	s5 =	sadd.s32 $0x400, s8;
	s2 =	simm.s32 $0x0;
	s3 =	sshrl.u32 s9, $0x3  }
0x6: {  	s10 =	ssub.s32 $0x2, s6;
	[smem:$0x7FF] =	sst s2;
	s3 =	sadd.s32 s3, s8  }
0x7: {  	_ =	strace $0x80000047;
	s4 =	sadd.s32 $0x200, s3;
	s3 =	simm.s32 $0x2  }
0x8: {  	[tilespmem:s2], [sflag:$0x2] =	stream.linear.gather [hbm4b:s4+s2], $0x80, $0x38;
	[tilespmem:$0x4080] =	vst v63  }
0x9: {  	s6 =	simm.s32 $0x80;
	s11 =	sshrl.u32 s10, $0x1;
	_ =	swait.ge [sflag:s3], $0x80  }
0xa: {  	s9 =	sshll.u32 s9, $0x4;
	s31 =	ssub.s32 s10, s11;
	[sflag:s3] =	ssyncset.done $0x0  }
0xb: {  	s8 =	sadd.s32 s9, s8;
	s9 =	smax.u32 s31, $0x1;
	[sflag:s3] =	ssyncadd.s32 $0xFFFFFF80  }
0xc: {  	[tilespmem:s6], [sflag:$0x1] =	stream.indirect.gather [hbm4b:s5+s6], $0x80, s2, s6, $0xb8;
	[tilespmem:$0x4080] =	vst v63  }
0xd: {  	p0 =	sne.s32 s9, $0x1;
	_ =	swait.ge [sflag:s7], $0x4000  }
.Ltmp0:
0xe: {  	[sflag:s7] =	ssyncset.done $0x0;
	(pc) =	sbr.rel @!p0 .LBB2_2-.Ltmp0, $4  }
0xf: {  	s8 =	sadd.s32 $0x40400, s8;
	[sflag:s7] =	ssyncadd.s32 $0xFFFFC000  }
0x10: {  	[hbm4b:s8+s2] =	stream.linear.scatter [tilespmem:s6], [sflag:$0x2], $0x4000, $0x38;
	[tilespmem:$0x4080] =	vst v63  }
0x11: {  	_ =	swait.ge [sflag:s3], $0x4000  }
0x12: {  	s9 =	sadd.s32 $0xFFFFFFFF, s9;
	[sflag:s3] =	ssyncset.done $0x0  }
.LBB2_1:
0x13: {  	p0 =	sne.s32 s9, $0x1;
	s9 =	sadd.s32 $0xFFFFFFFF, s9;
	[sflag:s3] =	ssyncadd.s32 $0xFFFFC000  }
0x14: {  	[tilespmem:s2], [sflag:$0x2] =	stream.linear.gather [hbm4b:s4+s2], $0x80, $0x38;
	[tilespmem:$0x4080] =	vst v63  }
0x15: {  	_ =	swait.ge [sflag:s3], $0x80  }
0x16: {  	[sflag:s3] =	ssyncset.done $0x0  }
0x17: {  	[sflag:s3] =	ssyncadd.s32 $0xFFFFFF80  }
0x18: {  	[tilespmem:s6], [sflag:$0x1] =	stream.indirect.gather [hbm4b:s5+s6], $0x80, s2, s6, $0xb8;
	[tilespmem:$0x4080] =	vst v63  }
0x19: {  	_ =	swait.ge [sflag:s7], $0x4000  }
.Ltmp1:
0x1a: {  	[sflag:s7] =	ssyncset.done $0x0;
	(pc) =	sbr.rel @p0 .LBB2_1-.Ltmp1, $4  }
0x1b: {  	[sflag:s7] =	ssyncadd.s32 $0xFFFFC000  }
0x1c: {  	[hbm4b:s8+s2] =	stream.linear.scatter [tilespmem:s6], [sflag:$0x2], $0x4000, $0x38;
	[tilespmem:$0x4080] =	vst v63  }
0x1d: {  	_ =	swait.ge [sflag:s3], $0x4000  }
0x1e: {  	[sflag:s3] =	ssyncset.done $0x0  }
.LBB2_2:
0x1f: {  	[sflag:s3] =	ssyncadd.s32 $0xFFFFC000  }
0x20: {  	_ =	sfence.sel $0x180000  }
0x21: {  	[bflag:$0x0] =	sbarrier.arrive $0xFFFF  }
0x22: {  	p0 =	sne.s32 s0, $0x0;
	_ =	strace $0x90000047  }
0x23: {  	s0 =	sadd.s32 @!p0 $0x100000, s1;
	[bflag:$0x2] =	sbarrier.arrive $0xFFFF  }
0x24: {  	[sflag:s0] =	ssyncadd.tile.s32 @!p0 $0x1;
	_ =	shalt  }
.Lfunc_end2:
_tile_overlayer_lowered:
.L_overlay_start_2:
0x25: {  	(tag) =	ssettag $0x2  }
0x26: {  	s0 =	rddreg [dreg:$0x0];
	s2 =	stileid.u32  }
0x27: {  	s1 =	rddreg [dreg:$0x1];
	p0 =	sne.s32 s2, $0x0  }
0x28: {  	s3 =	rddreg [dreg:$0x2];
	[bflag:$0x3] =	sbarrier.arrive $0xFFFF;
	s2 =	simm.s32 @!p0 $0x1C02  }
0x29: {  	[timem:s3], [sflag:s2] =	dma.local @!p0 [hbm:s0], s1  }
0x2a: {  	s0 =	simm.s32 @!p0 $0x2  }
0x2b: {  	_ =	swait.ge @!p0 [sflag:s0], s1  }
0x2c: {  	s1 =	ssub.s32 @!p0 $0x0, s1;
	[sflag:s0] =	ssyncset.done @!p0 $0x0  }
0x2d: {  	[sflag:s0] =	ssyncadd.s32 @!p0 s1  }
0x2e: {  	[bflag:$0x3] =	sbarrier.arrive $0xFFFF  }
0x2f: {  	_ =	shalt  }

</sc_bundles>
